<compile_context>
chip_gen: v7x
topology: tpu7x:2x2x1
jax: 0.10.2.dev20260603
libtpu: 0.0.44.dev20260713+nightly
codegen_flags: <defaults>
</compile_context>

<pallas_src>
import jax
import jax.numpy as jnp
from jax import lax
from jax.experimental import pallas as pl
from jax.experimental.pallas import tpu as pltpu
from jax.experimental.pallas import tpu_sc as plsc

N = 32768
D = 2048
L = 16
NC = 2
NS = 16
NW = NC * NS
ROWS_PER_W = N // NW
CH = 16
HR = 8
NCHUNK = ROWS_PER_W // CH
JBLK = D // L
NBUF = 2


def _body(x_hbm, perm_hbm, out_hbm, perm_v, in_bufs, out_bufs, in_sems,
          out_sems):
    wid = lax.axis_index("s") * NC + lax.axis_index("c")
    base = wid * ROWS_PER_W

    pltpu.sync_copy(perm_hbm, perm_v)

    def in_slice(g):
        return x_hbm.at[pl.ds(base + g * CH, CH)]

    def out_slice(g, h):
        return out_hbm.at[pl.ds(base + g * CH + h * HR, HR)]

    for b in range(NBUF):
        pltpu.async_copy(in_slice(b), in_bufs[b], in_sems[b])

    def pair(p, _):
        for b in range(NBUF):
            g = p * NBUF + b
            pltpu.make_async_copy(in_slice(g), in_bufs[b], in_sems[b]).wait()
            for h in range(2):
                @pl.when(g >= 1)
                def _():
                    pltpu.make_async_copy(
                        out_bufs[h], out_slice(g - 1, h), out_sems[h]).wait()

                @plsc.parallel_loop(0, JBLK, unroll=4)
                def _(j):
                    col = perm_v[pl.ds(j * L, L)]
                    for r in range(HR):
                        rows = jnp.full((L,), h * HR + r, jnp.int32)
                        out_bufs[h][r, pl.ds(j * L, L)] = plsc.load_gather(
                            in_bufs[b], [rows, col])

                pltpu.async_copy(out_bufs[h], out_slice(g, h), out_sems[h])

            @pl.when(g + NBUF < NCHUNK)
            def _():
                pltpu.async_copy(
                    in_slice(g + NBUF), in_bufs[b], in_sems[b])
        return 0

    lax.fori_loop(0, NCHUNK // NBUF, pair, 0)

    for h in range(2):
        pltpu.make_async_copy(
            out_bufs[h], out_slice(NCHUNK - 1, h), out_sems[h]).wait()


@jax.jit
def kernel(x, perm):
    mesh = plsc.VectorSubcoreMesh(core_axis_name="c", subcore_axis_name="s")
    run = pl.kernel(
        _body,
        out_type=jax.ShapeDtypeStruct((N, D), jnp.float32),
        mesh=mesh,
        compiler_params=pltpu.CompilerParams(needs_layout_passes=False),
        scratch_types=[
            pltpu.VMEM((D,), jnp.int32),
            [pltpu.VMEM((CH, D), jnp.float32) for _ in range(NBUF)],
            [pltpu.VMEM((HR, D), jnp.float32) for _ in range(2)],
            [pltpu.SemaphoreType.DMA for _ in range(NBUF)],
            [pltpu.SemaphoreType.DMA for _ in range(2)],
        ],
    )
    return run(x, perm)

# --- scband reference (transcript-rebuilt; emitter-appended) ---
"""Pipeline reference for scband-permute-13134009991611 (READ-ONLY COPY).

The authoritative reference and input builder live on the scoring server;
editing this copy changes nothing except your own understanding.
"""

import jax, jax.numpy as jnp
import numpy as np

D = 2048
N = 32768

def setup_inputs(seed: int = 0) -> dict:
    key = jax.random.key(seed)
    kx, kp = jax.random.split(key)
    x = jax.random.normal(kx, (N, D), dtype=jnp.float32)
    # fixed permutation created at module init (torch.randperm(d))
    perm = jax.random.permutation(kp, D).astype(jnp.int32)
    return {"x": x, "perm": perm}

def reference(x, perm):
    # x[:, permute_idxs] -> gather along last dim
    return jnp.take(x, perm, axis=1)

if __name__ == "__main__":
    import jax
    _d = setup_inputs()
    print(jax.jit(kernel)(*tuple(_d.values())))

</pallas_src>

<mosaic_0001>
#map = affine_map<(d0, d1) -> (0, 0)>
#map1 = affine_map<(d0, d1) -> (0)>
module attributes {stable_mosaic.version = 14 : i64} {
  func.func @_body(%arg0: i32, %arg1: i32, %arg2: memref<32768x2048xf32, #tpu.memory_space<hbm>>, %arg3: memref<2048xi32, #tpu.memory_space<hbm>>, %arg4: memref<32768x2048xf32, #tpu.memory_space<hbm>>, %arg5: memref<2048xi32, #tpu.memory_space<vmem>>, %arg6: memref<16x2048xf32, #tpu.memory_space<vmem>>, %arg7: memref<16x2048xf32, #tpu.memory_space<vmem>>, %arg8: memref<8x2048xf32, #tpu.memory_space<vmem>>, %arg9: memref<8x2048xf32, #tpu.memory_space<vmem>>, %arg10: memref<!tpu.dma_semaphore, #tpu.memory_space<semaphore_mem>>, %arg11: memref<!tpu.dma_semaphore, #tpu.memory_space<semaphore_mem>>, %arg12: memref<!tpu.dma_semaphore, #tpu.memory_space<semaphore_mem>>, %arg13: memref<!tpu.dma_semaphore, #tpu.memory_space<semaphore_mem>>) attributes {dimension_semantics = [#tpu.dimension_semantics<core_parallel>, #tpu.dimension_semantics<subcore_parallel>], iteration_bounds = array<i64: 2, 16>, scalar_prefetch = 0 : i64, scratch_operands = 9 : i64, tpu.core_type = #tpu.core_type<sc_vector_subcore>, window_params = [{transform_indices = #map}, {transform_indices = #map1}, {transform_indices = #map}]} {
    %mul3A = arith.constant 2 : i32
    %mul3A_0 = arith.muli %arg1, %mul3A : i32
    %add3A = arith.addi %mul3A_0, %arg0 : i32
    %mul3A_1 = arith.constant 1024 : i32
    %mul3A_2 = arith.muli %add3A, %mul3A_1 : i32
    "tpu.region"() ({
      %run_scoped3A = tpu.sem_alloc : memref<!tpu.dma_semaphore, #tpu.memory_space<semaphore_mem>>
      tpu.enqueue_dma source(%arg3 : memref<2048xi32, #tpu.memory_space<hbm>>) target(%arg5 : memref<2048xi32, #tpu.memory_space<vmem>>) target_semaphore(%run_scoped3A : memref<!tpu.dma_semaphore, #tpu.memory_space<semaphore_mem>>)
      tpu.wait_dma2 semaphore(%run_scoped3A : memref<!tpu.dma_semaphore, #tpu.memory_space<semaphore_mem>>) src(%arg3 : memref<2048xi32, #tpu.memory_space<hbm>>) dst(%arg5 : memref<2048xi32, #tpu.memory_space<vmem>>)
      tpu.yield
    }) : () -> ()
    %add3A_3 = arith.constant 0 : i32
    %add3A_4 = arith.addi %mul3A_2, %add3A_3 : i32
    %dma_start3A = arith.constant 0 : i32
    %dma_start3A_5 = tpu.memref_slice %arg2[%add3A_4, %dma_start3A] : memref<32768x2048xf32, #tpu.memory_space<hbm>> -> memref<16x2048xf32, #tpu.memory_space<hbm>>
    %dma_start3A_6 = arith.constant 0 : i32
    %dma_start3A_7 = tpu.memref_slice %arg2[%add3A_4, %dma_start3A_6] : memref<32768x2048xf32, #tpu.memory_space<hbm>> -> memref<16x2048xf32, #tpu.memory_space<hbm>>
    tpu.enqueue_dma source(%dma_start3A_7 : memref<16x2048xf32, #tpu.memory_space<hbm>>) target(%arg6 : memref<16x2048xf32, #tpu.memory_space<vmem>>) target_semaphore(%arg10 : memref<!tpu.dma_semaphore, #tpu.memory_space<semaphore_mem>>)
    %add3A_8 = arith.constant 16 : i32
    %add3A_9 = arith.addi %mul3A_2, %add3A_8 : i32
    %dma_start3A_10 = arith.constant 0 : i32
    %dma_start3A_11 = tpu.memref_slice %arg2[%add3A_9, %dma_start3A_10] : memref<32768x2048xf32, #tpu.memory_space<hbm>> -> memref<16x2048xf32, #tpu.memory_space<hbm>>
    %dma_start3A_12 = arith.constant 0 : i32
    %dma_start3A_13 = tpu.memref_slice %arg2[%add3A_9, %dma_start3A_12] : memref<32768x2048xf32, #tpu.memory_space<hbm>> -> memref<16x2048xf32, #tpu.memory_space<hbm>>
    tpu.enqueue_dma source(%dma_start3A_13 : memref<16x2048xf32, #tpu.memory_space<hbm>>) target(%arg7 : memref<16x2048xf32, #tpu.memory_space<vmem>>) target_semaphore(%arg11 : memref<!tpu.dma_semaphore, #tpu.memory_space<semaphore_mem>>)
    %scan3A = arith.constant 0 : i32
    %scan3A_14 = arith.constant 0 : i32
    %scan3A_15 = arith.constant 32 : i32
    %scan3A_16 = arith.addi %scan3A_14, %scan3A_15 : i32
    %scan3A_17 = arith.constant 1 : i32
    %scan3A_18 = scf.for %scan3A_35 = %scan3A_14 to %scan3A_16 step %scan3A_17 iter_args(%scan3A_36 = %scan3A) -> (i32)  : i32 {
      %mul3A_37 = arith.constant 2 : i32
      %mul3A_38 = arith.muli %scan3A_35, %mul3A_37 : i32
      %add3A_39 = arith.constant 0 : i32
      %add3A_40 = arith.addi %mul3A_38, %add3A_39 : i32
      %mul3A_41 = arith.constant 16 : i32
      %mul3A_42 = arith.muli %add3A_40, %mul3A_41 : i32
      %add3A_43 = arith.addi %mul3A_2, %mul3A_42 : i32
      %dma_wait3A_44 = arith.constant 0 : i32
      %dma_wait3A_45 = tpu.memref_slice %arg2[%add3A_43, %dma_wait3A_44] : memref<32768x2048xf32, #tpu.memory_space<hbm>> -> memref<16x2048xf32, #tpu.memory_space<hbm>>
      %dma_wait3A_46 = arith.constant 0 : i32
      %dma_wait3A_47 = tpu.memref_slice %arg2[%add3A_43, %dma_wait3A_46] : memref<32768x2048xf32, #tpu.memory_space<hbm>> -> memref<16x2048xf32, #tpu.memory_space<hbm>>
      tpu.wait_dma2 semaphore(%arg10 : memref<!tpu.dma_semaphore, #tpu.memory_space<semaphore_mem>>) src(%dma_wait3A_47 : memref<16x2048xf32, #tpu.memory_space<hbm>>) dst(%arg6 : memref<16x2048xf32, #tpu.memory_space<vmem>>)
      %ge3A = arith.constant 1 : i32
      %ge3A_48 = arith.cmpi sge, %add3A_40, %ge3A : i32
      %convert_element_type3A = arith.extui %ge3A_48 : i1 to i32
      %cond3A = arith.constant 0 : i32
      %cond3A_49 = arith.cmpi ne, %convert_element_type3A, %cond3A : i32
      scf.if %cond3A_49 {
        %sub3A = arith.constant 1 : i32
        %sub3A_137 = arith.subi %add3A_40, %sub3A : i32
        %mul3A_138 = arith.constant 16 : i32
        %mul3A_139 = arith.muli %sub3A_137, %mul3A_138 : i32
        %add3A_140 = arith.addi %mul3A_2, %mul3A_139 : i32
        %add3A_141 = arith.constant 0 : i32
        %add3A_142 = arith.addi %add3A_140, %add3A_141 : i32
        %dma_wait3A_143 = arith.constant 0 : i32
        %dma_wait3A_144 = tpu.memref_slice %arg4[%add3A_142, %dma_wait3A_143] : memref<32768x2048xf32, #tpu.memory_space<hbm>> -> memref<8x2048xf32, #tpu.memory_space<hbm>>
        %dma_wait3A_145 = arith.constant 0 : i32
        %dma_wait3A_146 = tpu.memref_slice %arg4[%add3A_142, %dma_wait3A_145] : memref<32768x2048xf32, #tpu.memory_space<hbm>> -> memref<8x2048xf32, #tpu.memory_space<hbm>>
        tpu.wait_dma2 semaphore(%arg12 : memref<!tpu.dma_semaphore, #tpu.memory_space<semaphore_mem>>) src(%arg8 : memref<8x2048xf32, #tpu.memory_space<vmem>>) dst(%dma_wait3A_146 : memref<8x2048xf32, #tpu.memory_space<hbm>>)
      } else {
      }
      %parallel_loop3A = arith.constant 0 : i32
      %parallel_loop3A_50 = arith.constant 128 : i32
      %parallel_loop3A_51 = arith.constant 1 : i32
      scf.for %parallel_loop3A_137 = %parallel_loop3A to %parallel_loop3A_50 step %parallel_loop3A_51  : i32 {
        %parallel_loop3A_138 = arith.constant 16 : i32
        %parallel_loop3A_139 = arith.muli %parallel_loop3A_137, %parallel_loop3A_138 : i32
        %parallel_loop3A_140 = arith.index_cast %parallel_loop3A_139 : i32 to index
        %parallel_loop3A_141 = tpu.vector_load %arg5[%parallel_loop3A_140] {strides = array<i32>} : memref<2048xi32, #tpu.memory_space<vmem>>, vector<16xi32>,
        %parallel_loop3A_142 = arith.constant 0 : i32
        %parallel_loop3A_143 = vector.broadcast %parallel_loop3A_142 : i32 to vector<16xi32>
        %parallel_loop3A_144 = tpu.vector_load_idx %arg6[%parallel_loop3A_143, %parallel_loop3A_141] : memref<16x2048xf32, #tpu.memory_space<vmem>>[vector<16xi32>, vector<16xi32>], vector<16xf32>,
        %parallel_loop3A_145 = arith.constant 16 : i32
        %parallel_loop3A_146 = arith.muli %parallel_loop3A_137, %parallel_loop3A_145 : i32
        %parallel_loop3A_147 = arith.constant 0 : i32
        %parallel_loop3A_148 = arith.index_cast %parallel_loop3A_147 : i32 to index
        %parallel_loop3A_149 = arith.index_cast %parallel_loop3A_146 : i32 to index
        %parallel_loop3A_150 = tpu.vector_load %arg8[%parallel_loop3A_148, %parallel_loop3A_149] {strides = array<i32>} : memref<8x2048xf32, #tpu.memory_space<vmem>>, vector<16xf32>,
        tpu.vector_store %arg8[%parallel_loop3A_148, %parallel_loop3A_149], %parallel_loop3A_144 {strides = array<i32>} : memref<8x2048xf32, #tpu.memory_space<vmem>>, vector<16xf32>,
        %parallel_loop3A_151 = arith.constant 1 : i32
        %parallel_loop3A_152 = vector.broadcast %parallel_loop3A_151 : i32 to vector<16xi32>
        %parallel_loop3A_153 = tpu.vector_load_idx %arg6[%parallel_loop3A_152, %parallel_loop3A_141] : memref<16x2048xf32, #tpu.memory_space<vmem>>[vector<16xi32>, vector<16xi32>], vector<16xf32>,
        %parallel_loop3A_154 = arith.constant 16 : i32
        %parallel_loop3A_155 = arith.muli %parallel_loop3A_137, %parallel_loop3A_154 : i32
        %parallel_loop3A_156 = arith.constant 1 : i32
        %parallel_loop3A_157 = arith.index_cast %parallel_loop3A_156 : i32 to index
        %parallel_loop3A_158 = arith.index_cast %parallel_loop3A_155 : i32 to index
        %parallel_loop3A_159 = tpu.vector_load %arg8[%parallel_loop3A_157, %parallel_loop3A_158] {strides = array<i32>} : memref<8x2048xf32, #tpu.memory_space<vmem>>, vector<16xf32>,
        tpu.vector_store %arg8[%parallel_loop3A_157, %parallel_loop3A_158], %parallel_loop3A_153 {strides = array<i32>} : memref<8x2048xf32, #tpu.memory_space<vmem>>, vector<16xf32>,
        %parallel_loop3A_160 = arith.constant 2 : i32
        %parallel_loop3A_161 = vector.broadcast %parallel_loop3A_160 : i32 to vector<16xi32>
        %parallel_loop3A_162 = tpu.vector_load_idx %arg6[%parallel_loop3A_161, %parallel_loop3A_141] : memref<16x2048xf32, #tpu.memory_space<vmem>>[vector<16xi32>, vector<16xi32>], vector<16xf32>,
        %parallel_loop3A_163 = arith.constant 16 : i32
        %parallel_loop3A_164 = arith.muli %parallel_loop3A_137, %parallel_loop3A_163 : i32
        %parallel_loop3A_165 = arith.constant 2 : i32
        %parallel_loop3A_166 = arith.index_cast %parallel_loop3A_165 : i32 to index
        %parallel_loop3A_167 = arith.index_cast %parallel_loop3A_164 : i32 to index
        %parallel_loop3A_168 = tpu.vector_load %arg8[%parallel_loop3A_166, %parallel_loop3A_167] {strides = array<i32>} : memref<8x2048xf32, #tpu.memory_space<vmem>>, vector<16xf32>,
        tpu.vector_store %arg8[%parallel_loop3A_166, %parallel_loop3A_167], %parallel_loop3A_162 {strides = array<i32>} : memref<8x2048xf32, #tpu.memory_space<vmem>>, vector<16xf32>,
        %parallel_loop3A_169 = arith.constant 3 : i32
        %parallel_loop3A_170 = vector.broadcast %parallel_loop3A_169 : i32 to vector<16xi32>
        %parallel_loop3A_171 = tpu.vector_load_idx %arg6[%parallel_loop3A_170, %parallel_loop3A_141] : memref<16x2048xf32, #tpu.memory_space<vmem>>[vector<16xi32>, vector<16xi32>], vector<16xf32>,
        %parallel_loop3A_172 = arith.constant 16 : i32
        %parallel_loop3A_173 = arith.muli %parallel_loop3A_137, %parallel_loop3A_172 : i32
        %parallel_loop3A_174 = arith.constant 3 : i32
        %parallel_loop3A_175 = arith.index_cast %parallel_loop3A_174 : i32 to index
        %parallel_loop3A_176 = arith.index_cast %parallel_loop3A_173 : i32 to index
        %parallel_loop3A_177 = tpu.vector_load %arg8[%parallel_loop3A_175, %parallel_loop3A_176] {strides = array<i32>} : memref<8x2048xf32, #tpu.memory_space<vmem>>, vector<16xf32>,
        tpu.vector_store %arg8[%parallel_loop3A_175, %parallel_loop3A_176], %parallel_loop3A_171 {strides = array<i32>} : memref<8x2048xf32, #tpu.memory_space<vmem>>, vector<16xf32>,
        %parallel_loop3A_178 = arith.constant 4 : i32
        %parallel_loop3A_179 = vector.broadcast %parallel_loop3A_178 : i32 to vector<16xi32>
        %parallel_loop3A_180 = tpu.vector_load_idx %arg6[%parallel_loop3A_179, %parallel_loop3A_141] : memref<16x2048xf32, #tpu.memory_space<vmem>>[vector<16xi32>, vector<16xi32>], vector<16xf32>,
        %parallel_loop3A_181 = arith.constant 16 : i32
        %parallel_loop3A_182 = arith.muli %parallel_loop3A_137, %parallel_loop3A_181 : i32
        %parallel_loop3A_183 = arith.constant 4 : i32
        %parallel_loop3A_184 = arith.index_cast %parallel_loop3A_183 : i32 to index
        %parallel_loop3A_185 = arith.index_cast %parallel_loop3A_182 : i32 to index
        %parallel_loop3A_186 = tpu.vector_load %arg8[%parallel_loop3A_184, %parallel_loop3A_185] {strides = array<i32>} : memref<8x2048xf32, #tpu.memory_space<vmem>>, vector<16xf32>,
        tpu.vector_store %arg8[%parallel_loop3A_184, %parallel_loop3A_185], %parallel_loop3A_180 {strides = array<i32>} : memref<8x2048xf32, #tpu.memory_space<vmem>>, vector<16xf32>,
        %parallel_loop3A_187 = arith.constant 5 : i32
        %parallel_loop3A_188 = vector.broadcast %parallel_loop3A_187 : i32 to vector<16xi32>
        %parallel_loop3A_189 = tpu.vector_load_idx %arg6[%parallel_loop3A_188, %parallel_loop3A_141] : memref<16x2048xf32, #tpu.memory_space<vmem>>[vector<16xi32>, vector<16xi32>], vector<16xf32>,
        %parallel_loop3A_190 = arith.constant 16 : i32
        %parallel_loop3A_191 = arith.muli %parallel_loop3A_137, %parallel_loop3A_190 : i32
        %parallel_loop3A_192 = arith.constant 5 : i32
        %parallel_loop3A_193 = arith.index_cast %parallel_loop3A_192 : i32 to index
        %parallel_loop3A_194 = arith.index_cast %parallel_loop3A_191 : i32 to index
        %parallel_loop3A_195 = tpu.vector_load %arg8[%parallel_loop3A_193, %parallel_loop3A_194] {strides = array<i32>} : memref<8x2048xf32, #tpu.memory_space<vmem>>, vector<16xf32>,
        tpu.vector_store %arg8[%parallel_loop3A_193, %parallel_loop3A_194], %parallel_loop3A_189 {strides = array<i32>} : memref<8x2048xf32, #tpu.memory_space<vmem>>, vector<16xf32>,
        %parallel_loop3A_196 = arith.constant 6 : i32
        %parallel_loop3A_197 = vector.broadcast %parallel_loop3A_196 : i32 to vector<16xi32>
        %parallel_loop3A_198 = tpu.vector_load_idx %arg6[%parallel_loop3A_197, %parallel_loop3A_141] : memref<16x2048xf32, #tpu.memory_space<vmem>>[vector<16xi32>, vector<16xi32>], vector<16xf32>,
        %parallel_loop3A_199 = arith.constant 16 : i32
        %parallel_loop3A_200 = arith.muli %parallel_loop3A_137, %parallel_loop3A_199 : i32
        %parallel_loop3A_201 = arith.constant 6 : i32
        %parallel_loop3A_202 = arith.index_cast %parallel_loop3A_201 : i32 to index
        %parallel_loop3A_203 = arith.index_cast %parallel_loop3A_200 : i32 to index
        %parallel_loop3A_204 = tpu.vector_load %arg8[%parallel_loop3A_202, %parallel_loop3A_203] {strides = array<i32>} : memref<8x2048xf32, #tpu.memory_space<vmem>>, vector<16xf32>,
        tpu.vector_store %arg8[%parallel_loop3A_202, %parallel_loop3A_203], %parallel_loop3A_198 {strides = array<i32>} : memref<8x2048xf32, #tpu.memory_space<vmem>>, vector<16xf32>,
        %parallel_loop3A_205 = arith.constant 7 : i32
        %parallel_loop3A_206 = vector.broadcast %parallel_loop3A_205 : i32 to vector<16xi32>
        %parallel_loop3A_207 = tpu.vector_load_idx %arg6[%parallel_loop3A_206, %parallel_loop3A_141] : memref<16x2048xf32, #tpu.memory_space<vmem>>[vector<16xi32>, vector<16xi32>], vector<16xf32>,
        %parallel_loop3A_208 = arith.constant 16 : i32
        %parallel_loop3A_209 = arith.muli %parallel_loop3A_137, %parallel_loop3A_208 : i32
        %parallel_loop3A_210 = arith.constant 7 : i32
        %parallel_loop3A_211 = arith.index_cast %parallel_loop3A_210 : i32 to index
        %parallel_loop3A_212 = arith.index_cast %parallel_loop3A_209 : i32 to index
        %parallel_loop3A_213 = tpu.vector_load %arg8[%parallel_loop3A_211, %parallel_loop3A_212] {strides = array<i32>} : memref<8x2048xf32, #tpu.memory_space<vmem>>, vector<16xf32>,
        tpu.vector_store %arg8[%parallel_loop3A_211, %parallel_loop3A_212], %parallel_loop3A_207 {strides = array<i32>} : memref<8x2048xf32, #tpu.memory_space<vmem>>, vector<16xf32>,
      } {sc.loop_unroll_factor = 4 : i64, sc.parallel_access}
      %mul3A_52 = arith.constant 16 : i32
      %mul3A_53 = arith.muli %add3A_40, %mul3A_52 : i32
      %add3A_54 = arith.addi %mul3A_2, %mul3A_53 : i32
      %add3A_55 = arith.constant 0 : i32
      %add3A_56 = arith.addi %add3A_54, %add3A_55 : i32
      %dma_start3A_57 = arith.constant 0 : i32
      %dma_start3A_58 = tpu.memref_slice %arg4[%add3A_56, %dma_start3A_57] : memref<32768x2048xf32, #tpu.memory_space<hbm>> -> memref<8x2048xf32, #tpu.memory_space<hbm>>
      %dma_start3A_59 = arith.constant 0 : i32
      %dma_start3A_60 = tpu.memref_slice %arg4[%add3A_56, %dma_start3A_59] : memref<32768x2048xf32, #tpu.memory_space<hbm>> -> memref<8x2048xf32, #tpu.memory_space<hbm>>
      tpu.enqueue_dma source(%arg8 : memref<8x2048xf32, #tpu.memory_space<vmem>>) target(%dma_start3A_60 : memref<8x2048xf32, #tpu.memory_space<hbm>>) target_semaphore(%arg12 : memref<!tpu.dma_semaphore, #tpu.memory_space<semaphore_mem>>)
      %ge3A_61 = arith.constant 1 : i32
      %ge3A_62 = arith.cmpi sge, %add3A_40, %ge3A_61 : i32
      %convert_element_type3A_63 = arith.extui %ge3A_62 : i1 to i32
      %cond3A_64 = arith.constant 0 : i32
      %cond3A_65 = arith.cmpi ne, %convert_element_type3A_63, %cond3A_64 : i32
      scf.if %cond3A_65 {
        %sub3A = arith.constant 1 : i32
        %sub3A_137 = arith.subi %add3A_40, %sub3A : i32
        %mul3A_138 = arith.constant 16 : i32
        %mul3A_139 = arith.muli %sub3A_137, %mul3A_138 : i32
        %add3A_140 = arith.addi %mul3A_2, %mul3A_139 : i32
        %add3A_141 = arith.constant 8 : i32
        %add3A_142 = arith.addi %add3A_140, %add3A_141 : i32
        %dma_wait3A_143 = arith.constant 0 : i32
        %dma_wait3A_144 = tpu.memref_slice %arg4[%add3A_142, %dma_wait3A_143] : memref<32768x2048xf32, #tpu.memory_space<hbm>> -> memref<8x2048xf32, #tpu.memory_space<hbm>>
        %dma_wait3A_145 = arith.constant 0 : i32
        %dma_wait3A_146 = tpu.memref_slice %arg4[%add3A_142, %dma_wait3A_145] : memref<32768x2048xf32, #tpu.memory_space<hbm>> -> memref<8x2048xf32, #tpu.memory_space<hbm>>
        tpu.wait_dma2 semaphore(%arg13 : memref<!tpu.dma_semaphore, #tpu.memory_space<semaphore_mem>>) src(%arg9 : memref<8x2048xf32, #tpu.memory_space<vmem>>) dst(%dma_wait3A_146 : memref<8x2048xf32, #tpu.memory_space<hbm>>)
      } else {
      }
      %parallel_loop3A_66 = arith.constant 0 : i32
      %parallel_loop3A_67 = arith.constant 128 : i32
      %parallel_loop3A_68 = arith.constant 1 : i32
      scf.for %parallel_loop3A_137 = %parallel_loop3A_66 to %parallel_loop3A_67 step %parallel_loop3A_68  : i32 {
        %parallel_loop3A_138 = arith.constant 16 : i32
        %parallel_loop3A_139 = arith.muli %parallel_loop3A_137, %parallel_loop3A_138 : i32
        %parallel_loop3A_140 = arith.index_cast %parallel_loop3A_139 : i32 to index
        %parallel_loop3A_141 = tpu.vector_load %arg5[%parallel_loop3A_140] {strides = array<i32>} : memref<2048xi32, #tpu.memory_space<vmem>>, vector<16xi32>,
        %parallel_loop3A_142 = arith.constant 8 : i32
        %parallel_loop3A_143 = vector.broadcast %parallel_loop3A_142 : i32 to vector<16xi32>
        %parallel_loop3A_144 = tpu.vector_load_idx %arg6[%parallel_loop3A_143, %parallel_loop3A_141] : memref<16x2048xf32, #tpu.memory_space<vmem>>[vector<16xi32>, vector<16xi32>], vector<16xf32>,
        %parallel_loop3A_145 = arith.constant 16 : i32
        %parallel_loop3A_146 = arith.muli %parallel_loop3A_137, %parallel_loop3A_145 : i32
        %parallel_loop3A_147 = arith.constant 0 : i32
        %parallel_loop3A_148 = arith.index_cast %parallel_loop3A_147 : i32 to index
        %parallel_loop3A_149 = arith.index_cast %parallel_loop3A_146 : i32 to index
        %parallel_loop3A_150 = tpu.vector_load %arg9[%parallel_loop3A_148, %parallel_loop3A_149] {strides = array<i32>} : memref<8x2048xf32, #tpu.memory_space<vmem>>, vector<16xf32>,
        tpu.vector_store %arg9[%parallel_loop3A_148, %parallel_loop3A_149], %parallel_loop3A_144 {strides = array<i32>} : memref<8x2048xf32, #tpu.memory_space<vmem>>, vector<16xf32>,
        %parallel_loop3A_151 = arith.constant 9 : i32
        %parallel_loop3A_152 = vector.broadcast %parallel_loop3A_151 : i32 to vector<16xi32>
        %parallel_loop3A_153 = tpu.vector_load_idx %arg6[%parallel_loop3A_152, %parallel_loop3A_141] : memref<16x2048xf32, #tpu.memory_space<vmem>>[vector<16xi32>, vector<16xi32>], vector<16xf32>,
        %parallel_loop3A_154 = arith.constant 16 : i32
        %parallel_loop3A_155 = arith.muli %parallel_loop3A_137, %parallel_loop3A_154 : i32
        %parallel_loop3A_156 = arith.constant 1 : i32
        %parallel_loop3A_157 = arith.index_cast %parallel_loop3A_156 : i32 to index
        %parallel_loop3A_158 = arith.index_cast %parallel_loop3A_155 : i32 to index
        %parallel_loop3A_159 = tpu.vector_load %arg9[%parallel_loop3A_157, %parallel_loop3A_158] {strides = array<i32>} : memref<8x2048xf32, #tpu.memory_space<vmem>>, vector<16xf32>,
        tpu.vector_store %arg9[%parallel_loop3A_157, %parallel_loop3A_158], %parallel_loop3A_153 {strides = array<i32>} : memref<8x2048xf32, #tpu.memory_space<vmem>>, vector<16xf32>,
        %parallel_loop3A_160 = arith.constant 10 : i32
        %parallel_loop3A_161 = vector.broadcast %parallel_loop3A_160 : i32 to vector<16xi32>
        %parallel_loop3A_162 = tpu.vector_load_idx %arg6[%parallel_loop3A_161, %parallel_loop3A_141] : memref<16x2048xf32, #tpu.memory_space<vmem>>[vector<16xi32>, vector<16xi32>], vector<16xf32>,
        %parallel_loop3A_163 = arith.constant 16 : i32
        %parallel_loop3A_164 = arith.muli %parallel_loop3A_137, %parallel_loop3A_163 : i32
        %parallel_loop3A_165 = arith.constant 2 : i32
        %parallel_loop3A_166 = arith.index_cast %parallel_loop3A_165 : i32 to index
        %parallel_loop3A_167 = arith.index_cast %parallel_loop3A_164 : i32 to index
        %parallel_loop3A_168 = tpu.vector_load %arg9[%parallel_loop3A_166, %parallel_loop3A_167] {strides = array<i32>} : memref<8x2048xf32, #tpu.memory_space<vmem>>, vector<16xf32>,
        tpu.vector_store %arg9[%parallel_loop3A_166, %parallel_loop3A_167], %parallel_loop3A_162 {strides = array<i32>} : memref<8x2048xf32, #tpu.memory_space<vmem>>, vector<16xf32>,
        %parallel_loop3A_169 = arith.constant 11 : i32
        %parallel_loop3A_170 = vector.broadcast %parallel_loop3A_169 : i32 to vector<16xi32>
        %parallel_loop3A_171 = tpu.vector_load_idx %arg6[%parallel_loop3A_170, %parallel_loop3A_141] : memref<16x2048xf32, #tpu.memory_space<vmem>>[vector<16xi32>, vector<16xi32>], vector<16xf32>,
        %parallel_loop3A_172 = arith.constant 16 : i32
        %parallel_loop3A_173 = arith.muli %parallel_loop3A_137, %parallel_loop3A_172 : i32
        %parallel_loop3A_174 = arith.constant 3 : i32
        %parallel_loop3A_175 = arith.index_cast %parallel_loop3A_174 : i32 to index
        %parallel_loop3A_176 = arith.index_cast %parallel_loop3A_173 : i32 to index
        %parallel_loop3A_177 = tpu.vector_load %arg9[%parallel_loop3A_175, %parallel_loop3A_176] {strides = array<i32>} : memref<8x2048xf32, #tpu.memory_space<vmem>>, vector<16xf32>,
        tpu.vector_store %arg9[%parallel_loop3A_175, %parallel_loop3A_176], %parallel_loop3A_171 {strides = array<i32>} : memref<8x2048xf32, #tpu.memory_space<vmem>>, vector<16xf32>,
        %parallel_loop3A_178 = arith.constant 12 : i32
        %parallel_loop3A_179 = vector.broadcast %parallel_loop3A_178 : i32 to vector<16xi32>
        %parallel_loop3A_180 = tpu.vector_load_idx %arg6[%parallel_loop3A_179, %parallel_loop3A_141] : memref<16x2048xf32, #tpu.memory_space<vmem>>[vector<16xi32>, vector<16xi32>], vector<16xf32>,
        %parallel_loop3A_181 = arith.constant 16 : i32
        %parallel_loop3A_182 = arith.muli %parallel_loop3A_137, %parallel_loop3A_181 : i32
        %parallel_loop3A_183 = arith.constant 4 : i32
        %parallel_loop3A_184 = arith.index_cast %parallel_loop3A_183 : i32 to index
        %parallel_loop3A_185 = arith.index_cast %parallel_loop3A_182 : i32 to index
        %parallel_loop3A_186 = tpu.vector_load %arg9[%parallel_loop3A_184, %parallel_loop3A_185] {strides = array<i32>} : memref<8x2048xf32, #tpu.memory_space<vmem>>, vector<16xf32>,
        tpu.vector_store %arg9[%parallel_loop3A_184, %parallel_loop3A_185], %parallel_loop3A_180 {strides = array<i32>} : memref<8x2048xf32, #tpu.memory_space<vmem>>, vector<16xf32>,
        %parallel_loop3A_187 = arith.constant 13 : i32
        %parallel_loop3A_188 = vector.broadcast %parallel_loop3A_187 : i32 to vector<16xi32>
        %parallel_loop3A_189 = tpu.vector_load_idx %arg6[%parallel_loop3A_188, %parallel_loop3A_141] : memref<16x2048xf32, #tpu.memory_space<vmem>>[vector<16xi32>, vector<16xi32>], vector<16xf32>,
        %parallel_loop3A_190 = arith.constant 16 : i32
        %parallel_loop3A_191 = arith.muli %parallel_loop3A_137, %parallel_loop3A_190 : i32
        %parallel_loop3A_192 = arith.constant 5 : i32
        %parallel_loop3A_193 = arith.index_cast %parallel_loop3A_192 : i32 to index
        %parallel_loop3A_194 = arith.index_cast %parallel_loop3A_191 : i32 to index
        %parallel_loop3A_195 = tpu.vector_load %arg9[%parallel_loop3A_193, %parallel_loop3A_194] {strides = array<i32>} : memref<8x2048xf32, #tpu.memory_space<vmem>>, vector<16xf32>,
        tpu.vector_store %arg9[%parallel_loop3A_193, %parallel_loop3A_194], %parallel_loop3A_189 {strides = array<i32>} : memref<8x2048xf32, #tpu.memory_space<vmem>>, vector<16xf32>,
        %parallel_loop3A_196 = arith.constant 14 : i32
        %parallel_loop3A_197 = vector.broadcast %parallel_loop3A_196 : i32 to vector<16xi32>
        %parallel_loop3A_198 = tpu.vector_load_idx %arg6[%parallel_loop3A_197, %parallel_loop3A_141] : memref<16x2048xf32, #tpu.memory_space<vmem>>[vector<16xi32>, vector<16xi32>], vector<16xf32>,
        %parallel_loop3A_199 = arith.constant 16 : i32
        %parallel_loop3A_200 = arith.muli %parallel_loop3A_137, %parallel_loop3A_199 : i32
        %parallel_loop3A_201 = arith.constant 6 : i32
        %parallel_loop3A_202 = arith.index_cast %parallel_loop3A_201 : i32 to index
        %parallel_loop3A_203 = arith.index_cast %parallel_loop3A_200 : i32 to index
        %parallel_loop3A_204 = tpu.vector_load %arg9[%parallel_loop3A_202, %parallel_loop3A_203] {strides = array<i32>} : memref<8x2048xf32, #tpu.memory_space<vmem>>, vector<16xf32>,
        tpu.vector_store %arg9[%parallel_loop3A_202, %parallel_loop3A_203], %parallel_loop3A_198 {strides = array<i32>} : memref<8x2048xf32, #tpu.memory_space<vmem>>, vector<16xf32>,
        %parallel_loop3A_205 = arith.constant 15 : i32
        %parallel_loop3A_206 = vector.broadcast %parallel_loop3A_205 : i32 to vector<16xi32>
        %parallel_loop3A_207 = tpu.vector_load_idx %arg6[%parallel_loop3A_206, %parallel_loop3A_141] : memref<16x2048xf32, #tpu.memory_space<vmem>>[vector<16xi32>, vector<16xi32>], vector<16xf32>,
        %parallel_loop3A_208 = arith.constant 16 : i32
        %parallel_loop3A_209 = arith.muli %parallel_loop3A_137, %parallel_loop3A_208 : i32
        %parallel_loop3A_210 = arith.constant 7 : i32
        %parallel_loop3A_211 = arith.index_cast %parallel_loop3A_210 : i32 to index
        %parallel_loop3A_212 = arith.index_cast %parallel_loop3A_209 : i32 to index
        %parallel_loop3A_213 = tpu.vector_load %arg9[%parallel_loop3A_211, %parallel_loop3A_212] {strides = array<i32>} : memref<8x2048xf32, #tpu.memory_space<vmem>>, vector<16xf32>,
        tpu.vector_store %arg9[%parallel_loop3A_211, %parallel_loop3A_212], %parallel_loop3A_207 {strides = array<i32>} : memref<8x2048xf32, #tpu.memory_space<vmem>>, vector<16xf32>,
      } {sc.loop_unroll_factor = 4 : i64, sc.parallel_access}
      %mul3A_69 = arith.constant 16 : i32
      %mul3A_70 = arith.muli %add3A_40, %mul3A_69 : i32
      %add3A_71 = arith.addi %mul3A_2, %mul3A_70 : i32
      %add3A_72 = arith.constant 8 : i32
      %add3A_73 = arith.addi %add3A_71, %add3A_72 : i32
      %dma_start3A_74 = arith.constant 0 : i32
      %dma_start3A_75 = tpu.memref_slice %arg4[%add3A_73, %dma_start3A_74] : memref<32768x2048xf32, #tpu.memory_space<hbm>> -> memref<8x2048xf32, #tpu.memory_space<hbm>>
      %dma_start3A_76 = arith.constant 0 : i32
      %dma_start3A_77 = tpu.memref_slice %arg4[%add3A_73, %dma_start3A_76] : memref<32768x2048xf32, #tpu.memory_space<hbm>> -> memref<8x2048xf32, #tpu.memory_space<hbm>>
      tpu.enqueue_dma source(%arg9 : memref<8x2048xf32, #tpu.memory_space<vmem>>) target(%dma_start3A_77 : memref<8x2048xf32, #tpu.memory_space<hbm>>) target_semaphore(%arg13 : memref<!tpu.dma_semaphore, #tpu.memory_space<semaphore_mem>>)
      %add3A_78 = arith.constant 2 : i32
      %add3A_79 = arith.addi %add3A_40, %add3A_78 : i32
      %lt3A = arith.constant 64 : i32
      %lt3A_80 = arith.cmpi slt, %add3A_79, %lt3A : i32
      %convert_element_type3A_81 = arith.extui %lt3A_80 : i1 to i32
      %cond3A_82 = arith.constant 0 : i32
      %cond3A_83 = arith.cmpi ne, %convert_element_type3A_81, %cond3A_82 : i32
      scf.if %cond3A_83 {
        %add3A_137 = arith.constant 2 : i32
        %add3A_138 = arith.addi %add3A_40, %add3A_137 : i32
        %mul3A_139 = arith.constant 16 : i32
        %mul3A_140 = arith.muli %add3A_138, %mul3A_139 : i32
        %add3A_141 = arith.addi %mul3A_2, %mul3A_140 : i32
        %dma_start3A_142 = arith.constant 0 : i32
        %dma_start3A_143 = tpu.memref_slice %arg2[%add3A_141, %dma_start3A_142] : memref<32768x2048xf32, #tpu.memory_space<hbm>> -> memref<16x2048xf32, #tpu.memory_space<hbm>>
        %dma_start3A_144 = arith.constant 0 : i32
        %dma_start3A_145 = tpu.memref_slice %arg2[%add3A_141, %dma_start3A_144] : memref<32768x2048xf32, #tpu.memory_space<hbm>> -> memref<16x2048xf32, #tpu.memory_space<hbm>>
        tpu.enqueue_dma source(%dma_start3A_145 : memref<16x2048xf32, #tpu.memory_space<hbm>>) target(%arg6 : memref<16x2048xf32, #tpu.memory_space<vmem>>) target_semaphore(%arg10 : memref<!tpu.dma_semaphore, #tpu.memory_space<semaphore_mem>>)
      } else {
      }
      %mul3A_84 = arith.constant 2 : i32
      %mul3A_85 = arith.muli %scan3A_35, %mul3A_84 : i32
      %add3A_86 = arith.constant 1 : i32
      %add3A_87 = arith.addi %mul3A_85, %add3A_86 : i32
      %mul3A_88 = arith.constant 16 : i32
      %mul3A_89 = arith.muli %add3A_87, %mul3A_88 : i32
      %add3A_90 = arith.addi %mul3A_2, %mul3A_89 : i32
      %dma_wait3A_91 = arith.constant 0 : i32
      %dma_wait3A_92 = tpu.memref_slice %arg2[%add3A_90, %dma_wait3A_91] : memref<32768x2048xf32, #tpu.memory_space<hbm>> -> memref<16x2048xf32, #tpu.memory_space<hbm>>
      %dma_wait3A_93 = arith.constant 0 : i32
      %dma_wait3A_94 = tpu.memref_slice %arg2[%add3A_90, %dma_wait3A_93] : memref<32768x2048xf32, #tpu.memory_space<hbm>> -> memref<16x2048xf32, #tpu.memory_space<hbm>>
      tpu.wait_dma2 semaphore(%arg11 : memref<!tpu.dma_semaphore, #tpu.memory_space<semaphore_mem>>) src(%dma_wait3A_94 : memref<16x2048xf32, #tpu.memory_space<hbm>>) dst(%arg7 : memref<16x2048xf32, #tpu.memory_space<vmem>>)
      %ge3A_95 = arith.constant 1 : i32
      %ge3A_96 = arith.cmpi sge, %add3A_87, %ge3A_95 : i32
      %convert_element_type3A_97 = arith.extui %ge3A_96 : i1 to i32
      %cond3A_98 = arith.constant 0 : i32
      %cond3A_99 = arith.cmpi ne, %convert_element_type3A_97, %cond3A_98 : i32
      scf.if %cond3A_99 {
        %sub3A = arith.constant 1 : i32
        %sub3A_137 = arith.subi %add3A_87, %sub3A : i32
        %mul3A_138 = arith.constant 16 : i32
        %mul3A_139 = arith.muli %sub3A_137, %mul3A_138 : i32
        %add3A_140 = arith.addi %mul3A_2, %mul3A_139 : i32
        %add3A_141 = arith.constant 0 : i32
        %add3A_142 = arith.addi %add3A_140, %add3A_141 : i32
        %dma_wait3A_143 = arith.constant 0 : i32
        %dma_wait3A_144 = tpu.memref_slice %arg4[%add3A_142, %dma_wait3A_143] : memref<32768x2048xf32, #tpu.memory_space<hbm>> -> memref<8x2048xf32, #tpu.memory_space<hbm>>
        %dma_wait3A_145 = arith.constant 0 : i32
        %dma_wait3A_146 = tpu.memref_slice %arg4[%add3A_142, %dma_wait3A_145] : memref<32768x2048xf32, #tpu.memory_space<hbm>> -> memref<8x2048xf32, #tpu.memory_space<hbm>>
        tpu.wait_dma2 semaphore(%arg12 : memref<!tpu.dma_semaphore, #tpu.memory_space<semaphore_mem>>) src(%arg8 : memref<8x2048xf32, #tpu.memory_space<vmem>>) dst(%dma_wait3A_146 : memref<8x2048xf32, #tpu.memory_space<hbm>>)
      } else {
      }
      %parallel_loop3A_100 = arith.constant 0 : i32
      %parallel_loop3A_101 = arith.constant 128 : i32
      %parallel_loop3A_102 = arith.constant 1 : i32
      scf.for %parallel_loop3A_137 = %parallel_loop3A_100 to %parallel_loop3A_101 step %parallel_loop3A_102  : i32 {
        %parallel_loop3A_138 = arith.constant 16 : i32
        %parallel_loop3A_139 = arith.muli %parallel_loop3A_137, %parallel_loop3A_138 : i32
        %parallel_loop3A_140 = arith.index_cast %parallel_loop3A_139 : i32 to index
        %parallel_loop3A_141 = tpu.vector_load %arg5[%parallel_loop3A_140] {strides = array<i32>} : memref<2048xi32, #tpu.memory_space<vmem>>, vector<16xi32>,
        %parallel_loop3A_142 = arith.constant 0 : i32
        %parallel_loop3A_143 = vector.broadcast %parallel_loop3A_142 : i32 to vector<16xi32>
        %parallel_loop3A_144 = tpu.vector_load_idx %arg7[%parallel_loop3A_143, %parallel_loop3A_141] : memref<16x2048xf32, #tpu.memory_space<vmem>>[vector<16xi32>, vector<16xi32>], vector<16xf32>,
        %parallel_loop3A_145 = arith.constant 16 : i32
        %parallel_loop3A_146 = arith.muli %parallel_loop3A_137, %parallel_loop3A_145 : i32
        %parallel_loop3A_147 = arith.constant 0 : i32
        %parallel_loop3A_148 = arith.index_cast %parallel_loop3A_147 : i32 to index
        %parallel_loop3A_149 = arith.index_cast %parallel_loop3A_146 : i32 to index
        %parallel_loop3A_150 = tpu.vector_load %arg8[%parallel_loop3A_148, %parallel_loop3A_149] {strides = array<i32>} : memref<8x2048xf32, #tpu.memory_space<vmem>>, vector<16xf32>,
        tpu.vector_store %arg8[%parallel_loop3A_148, %parallel_loop3A_149], %parallel_loop3A_144 {strides = array<i32>} : memref<8x2048xf32, #tpu.memory_space<vmem>>, vector<16xf32>,
        %parallel_loop3A_151 = arith.constant 1 : i32
        %parallel_loop3A_152 = vector.broadcast %parallel_loop3A_151 : i32 to vector<16xi32>
        %parallel_loop3A_153 = tpu.vector_load_idx %arg7[%parallel_loop3A_152, %parallel_loop3A_141] : memref<16x2048xf32, #tpu.memory_space<vmem>>[vector<16xi32>, vector<16xi32>], vector<16xf32>,
        %parallel_loop3A_154 = arith.constant 16 : i32
        %parallel_loop3A_155 = arith.muli %parallel_loop3A_137, %parallel_loop3A_154 : i32
        %parallel_loop3A_156 = arith.constant 1 : i32
        %parallel_loop3A_157 = arith.index_cast %parallel_loop3A_156 : i32 to index
        %parallel_loop3A_158 = arith.index_cast %parallel_loop3A_155 : i32 to index
        %parallel_loop3A_159 = tpu.vector_load %arg8[%parallel_loop3A_157, %parallel_loop3A_158] {strides = array<i32>} : memref<8x2048xf32, #tpu.memory_space<vmem>>, vector<16xf32>,
        tpu.vector_store %arg8[%parallel_loop3A_157, %parallel_loop3A_158], %parallel_loop3A_153 {strides = array<i32>} : memref<8x2048xf32, #tpu.memory_space<vmem>>, vector<16xf32>,
        %parallel_loop3A_160 = arith.constant 2 : i32
        %parallel_loop3A_161 = vector.broadcast %parallel_loop3A_160 : i32 to vector<16xi32>
        %parallel_loop3A_162 = tpu.vector_load_idx %arg7[%parallel_loop3A_161, %parallel_loop3A_141] : memref<16x2048xf32, #tpu.memory_space<vmem>>[vector<16xi32>, vector<16xi32>], vector<16xf32>,
        %parallel_loop3A_163 = arith.constant 16 : i32
        %parallel_loop3A_164 = arith.muli %parallel_loop3A_137, %parallel_loop3A_163 : i32
        %parallel_loop3A_165 = arith.constant 2 : i32
        %parallel_loop3A_166 = arith.index_cast %parallel_loop3A_165 : i32 to index
        %parallel_loop3A_167 = arith.index_cast %parallel_loop3A_164 : i32 to index
        %parallel_loop3A_168 = tpu.vector_load %arg8[%parallel_loop3A_166, %parallel_loop3A_167] {strides = array<i32>} : memref<8x2048xf32, #tpu.memory_space<vmem>>, vector<16xf32>,
        tpu.vector_store %arg8[%parallel_loop3A_166, %parallel_loop3A_167], %parallel_loop3A_162 {strides = array<i32>} : memref<8x2048xf32, #tpu.memory_space<vmem>>, vector<16xf32>,
        %parallel_loop3A_169 = arith.constant 3 : i32
        %parallel_loop3A_170 = vector.broadcast %parallel_loop3A_169 : i32 to vector<16xi32>
        %parallel_loop3A_171 = tpu.vector_load_idx %arg7[%parallel_loop3A_170, %parallel_loop3A_141] : memref<16x2048xf32, #tpu.memory_space<vmem>>[vector<16xi32>, vector<16xi32>], vector<16xf32>,
        %parallel_loop3A_172 = arith.constant 16 : i32
        %parallel_loop3A_173 = arith.muli %parallel_loop3A_137, %parallel_loop3A_172 : i32
        %parallel_loop3A_174 = arith.constant 3 : i32
        %parallel_loop3A_175 = arith.index_cast %parallel_loop3A_174 : i32 to index
        %parallel_loop3A_176 = arith.index_cast %parallel_loop3A_173 : i32 to index
        %parallel_loop3A_177 = tpu.vector_load %arg8[%parallel_loop3A_175, %parallel_loop3A_176] {strides = array<i32>} : memref<8x2048xf32, #tpu.memory_space<vmem>>, vector<16xf32>,
        tpu.vector_store %arg8[%parallel_loop3A_175, %parallel_loop3A_176], %parallel_loop3A_171 {strides = array<i32>} : memref<8x2048xf32, #tpu.memory_space<vmem>>, vector<16xf32>,
        %parallel_loop3A_178 = arith.constant 4 : i32
        %parallel_loop3A_179 = vector.broadcast %parallel_loop3A_178 : i32 to vector<16xi32>
        %parallel_loop3A_180 = tpu.vector_load_idx %arg7[%parallel_loop3A_179, %parallel_loop3A_141] : memref<16x2048xf32, #tpu.memory_space<vmem>>[vector<16xi32>, vector<16xi32>], vector<16xf32>,
        %parallel_loop3A_181 = arith.constant 16 : i32
        %parallel_loop3A_182 = arith.muli %parallel_loop3A_137, %parallel_loop3A_181 : i32
        %parallel_loop3A_183 = arith.constant 4 : i32
        %parallel_loop3A_184 = arith.index_cast %parallel_loop3A_183 : i32 to index
        %parallel_loop3A_185 = arith.index_cast %parallel_loop3A_182 : i32 to index
        %parallel_loop3A_186 = tpu.vector_load %arg8[%parallel_loop3A_184, %parallel_loop3A_185] {strides = array<i32>} : memref<8x2048xf32, #tpu.memory_space<vmem>>, vector<16xf32>,
        tpu.vector_store %arg8[%parallel_loop3A_184, %parallel_loop3A_185], %parallel_loop3A_180 {strides = array<i32>} : memref<8x2048xf32, #tpu.memory_space<vmem>>, vector<16xf32>,
        %parallel_loop3A_187 = arith.constant 5 : i32
        %parallel_loop3A_188 = vector.broadcast %parallel_loop3A_187 : i32 to vector<16xi32>
        %parallel_loop3A_189 = tpu.vector_load_idx %arg7[%parallel_loop3A_188, %parallel_loop3A_141] : memref<16x2048xf32, #tpu.memory_space<vmem>>[vector<16xi32>, vector<16xi32>], vector<16xf32>,
        %parallel_loop3A_190 = arith.constant 16 : i32
        %parallel_loop3A_191 = arith.muli %parallel_loop3A_137, %parallel_loop3A_190 : i32
        %parallel_loop3A_192 = arith.constant 5 : i32
        %parallel_loop3A_193 = arith.index_cast %parallel_loop3A_192 : i32 to index
        %parallel_loop3A_194 = arith.index_cast %parallel_loop3A_191 : i32 to index
        %parallel_loop3A_195 = tpu.vector_load %arg8[%parallel_loop3A_193, %parallel_loop3A_194] {strides = array<i32>} : memref<8x2048xf32, #tpu.memory_space<vmem>>, vector<16xf32>,
        tpu.vector_store %arg8[%parallel_loop3A_193, %parallel_loop3A_194], %parallel_loop3A_189 {strides = array<i32>} : memref<8x2048xf32, #tpu.memory_space<vmem>>, vector<16xf32>,
        %parallel_loop3A_196 = arith.constant 6 : i32
        %parallel_loop3A_197 = vector.broadcast %parallel_loop3A_196 : i32 to vector<16xi32>
        %parallel_loop3A_198 = tpu.vector_load_idx %arg7[%parallel_loop3A_197, %parallel_loop3A_141] : memref<16x2048xf32, #tpu.memory_space<vmem>>[vector<16xi32>, vector<16xi32>], vector<16xf32>,
        %parallel_loop3A_199 = arith.constant 16 : i32
        %parallel_loop3A_200 = arith.muli %parallel_loop3A_137, %parallel_loop3A_199 : i32
        %parallel_loop3A_201 = arith.constant 6 : i32
        %parallel_loop3A_202 = arith.index_cast %parallel_loop3A_201 : i32 to index
        %parallel_loop3A_203 = arith.index_cast %parallel_loop3A_200 : i32 to index
        %parallel_loop3A_204 = tpu.vector_load %arg8[%parallel_loop3A_202, %parallel_loop3A_203] {strides = array<i32>} : memref<8x2048xf32, #tpu.memory_space<vmem>>, vector<16xf32>,
        tpu.vector_store %arg8[%parallel_loop3A_202, %parallel_loop3A_203], %parallel_loop3A_198 {strides = array<i32>} : memref<8x2048xf32, #tpu.memory_space<vmem>>, vector<16xf32>,
        %parallel_loop3A_205 = arith.constant 7 : i32
        %parallel_loop3A_206 = vector.broadcast %parallel_loop3A_205 : i32 to vector<16xi32>
        %parallel_loop3A_207 = tpu.vector_load_idx %arg7[%parallel_loop3A_206, %parallel_loop3A_141] : memref<16x2048xf32, #tpu.memory_space<vmem>>[vector<16xi32>, vector<16xi32>], vector<16xf32>,
        %parallel_loop3A_208 = arith.constant 16 : i32
        %parallel_loop3A_209 = arith.muli %parallel_loop3A_137, %parallel_loop3A_208 : i32
        %parallel_loop3A_210 = arith.constant 7 : i32
        %parallel_loop3A_211 = arith.index_cast %parallel_loop3A_210 : i32 to index
        %parallel_loop3A_212 = arith.index_cast %parallel_loop3A_209 : i32 to index
        %parallel_loop3A_213 = tpu.vector_load %arg8[%parallel_loop3A_211, %parallel_loop3A_212] {strides = array<i32>} : memref<8x2048xf32, #tpu.memory_space<vmem>>, vector<16xf32>,
        tpu.vector_store %arg8[%parallel_loop3A_211, %parallel_loop3A_212], %parallel_loop3A_207 {strides = array<i32>} : memref<8x2048xf32, #tpu.memory_space<vmem>>, vector<16xf32>,
      } {sc.loop_unroll_factor = 4 : i64, sc.parallel_access}
      %mul3A_103 = arith.constant 16 : i32
      %mul3A_104 = arith.muli %add3A_87, %mul3A_103 : i32
      %add3A_105 = arith.addi %mul3A_2, %mul3A_104 : i32
      %add3A_106 = arith.constant 0 : i32
      %add3A_107 = arith.addi %add3A_105, %add3A_106 : i32
      %dma_start3A_108 = arith.constant 0 : i32
      %dma_start3A_109 = tpu.memref_slice %arg4[%add3A_107, %dma_start3A_108] : memref<32768x2048xf32, #tpu.memory_space<hbm>> -> memref<8x2048xf32, #tpu.memory_space<hbm>>
      %dma_start3A_110 = arith.constant 0 : i32
      %dma_start3A_111 = tpu.memref_slice %arg4[%add3A_107, %dma_start3A_110] : memref<32768x2048xf32, #tpu.memory_space<hbm>> -> memref<8x2048xf32, #tpu.memory_space<hbm>>
      tpu.enqueue_dma source(%arg8 : memref<8x2048xf32, #tpu.memory_space<vmem>>) target(%dma_start3A_111 : memref<8x2048xf32, #tpu.memory_space<hbm>>) target_semaphore(%arg12 : memref<!tpu.dma_semaphore, #tpu.memory_space<semaphore_mem>>)
      %ge3A_112 = arith.constant 1 : i32
      %ge3A_113 = arith.cmpi sge, %add3A_87, %ge3A_112 : i32
      %convert_element_type3A_114 = arith.extui %ge3A_113 : i1 to i32
      %cond3A_115 = arith.constant 0 : i32
      %cond3A_116 = arith.cmpi ne, %convert_element_type3A_114, %cond3A_115 : i32
      scf.if %cond3A_116 {
        %sub3A = arith.constant 1 : i32
        %sub3A_137 = arith.subi %add3A_87, %sub3A : i32
        %mul3A_138 = arith.constant 16 : i32
        %mul3A_139 = arith.muli %sub3A_137, %mul3A_138 : i32
        %add3A_140 = arith.addi %mul3A_2, %mul3A_139 : i32
        %add3A_141 = arith.constant 8 : i32
        %add3A_142 = arith.addi %add3A_140, %add3A_141 : i32
        %dma_wait3A_143 = arith.constant 0 : i32
        %dma_wait3A_144 = tpu.memref_slice %arg4[%add3A_142, %dma_wait3A_143] : memref<32768x2048xf32, #tpu.memory_space<hbm>> -> memref<8x2048xf32, #tpu.memory_space<hbm>>
        %dma_wait3A_145 = arith.constant 0 : i32
        %dma_wait3A_146 = tpu.memref_slice %arg4[%add3A_142, %dma_wait3A_145] : memref<32768x2048xf32, #tpu.memory_space<hbm>> -> memref<8x2048xf32, #tpu.memory_space<hbm>>
        tpu.wait_dma2 semaphore(%arg13 : memref<!tpu.dma_semaphore, #tpu.memory_space<semaphore_mem>>) src(%arg9 : memref<8x2048xf32, #tpu.memory_space<vmem>>) dst(%dma_wait3A_146 : memref<8x2048xf32, #tpu.memory_space<hbm>>)
      } else {
      }
      %parallel_loop3A_117 = arith.constant 0 : i32
      %parallel_loop3A_118 = arith.constant 128 : i32
      %parallel_loop3A_119 = arith.constant 1 : i32
      scf.for %parallel_loop3A_137 = %parallel_loop3A_117 to %parallel_loop3A_118 step %parallel_loop3A_119  : i32 {
        %parallel_loop3A_138 = arith.constant 16 : i32
        %parallel_loop3A_139 = arith.muli %parallel_loop3A_137, %parallel_loop3A_138 : i32
        %parallel_loop3A_140 = arith.index_cast %parallel_loop3A_139 : i32 to index
        %parallel_loop3A_141 = tpu.vector_load %arg5[%parallel_loop3A_140] {strides = array<i32>} : memref<2048xi32, #tpu.memory_space<vmem>>, vector<16xi32>,
        %parallel_loop3A_142 = arith.constant 8 : i32
        %parallel_loop3A_143 = vector.broadcast %parallel_loop3A_142 : i32 to vector<16xi32>
        %parallel_loop3A_144 = tpu.vector_load_idx %arg7[%parallel_loop3A_143, %parallel_loop3A_141] : memref<16x2048xf32, #tpu.memory_space<vmem>>[vector<16xi32>, vector<16xi32>], vector<16xf32>,
        %parallel_loop3A_145 = arith.constant 16 : i32
        %parallel_loop3A_146 = arith.muli %parallel_loop3A_137, %parallel_loop3A_145 : i32
        %parallel_loop3A_147 = arith.constant 0 : i32
        %parallel_loop3A_148 = arith.index_cast %parallel_loop3A_147 : i32 to index
        %parallel_loop3A_149 = arith.index_cast %parallel_loop3A_146 : i32 to index
        %parallel_loop3A_150 = tpu.vector_load %arg9[%parallel_loop3A_148, %parallel_loop3A_149] {strides = array<i32>} : memref<8x2048xf32, #tpu.memory_space<vmem>>, vector<16xf32>,
        tpu.vector_store %arg9[%parallel_loop3A_148, %parallel_loop3A_149], %parallel_loop3A_144 {strides = array<i32>} : memref<8x2048xf32, #tpu.memory_space<vmem>>, vector<16xf32>,
        %parallel_loop3A_151 = arith.constant 9 : i32
        %parallel_loop3A_152 = vector.broadcast %parallel_loop3A_151 : i32 to vector<16xi32>
        %parallel_loop3A_153 = tpu.vector_load_idx %arg7[%parallel_loop3A_152, %parallel_loop3A_141] : memref<16x2048xf32, #tpu.memory_space<vmem>>[vector<16xi32>, vector<16xi32>], vector<16xf32>,
        %parallel_loop3A_154 = arith.constant 16 : i32
        %parallel_loop3A_155 = arith.muli %parallel_loop3A_137, %parallel_loop3A_154 : i32
        %parallel_loop3A_156 = arith.constant 1 : i32
        %parallel_loop3A_157 = arith.index_cast %parallel_loop3A_156 : i32 to index
        %parallel_loop3A_158 = arith.index_cast %parallel_loop3A_155 : i32 to index
        %parallel_loop3A_159 = tpu.vector_load %arg9[%parallel_loop3A_157, %parallel_loop3A_158] {strides = array<i32>} : memref<8x2048xf32, #tpu.memory_space<vmem>>, vector<16xf32>,
        tpu.vector_store %arg9[%parallel_loop3A_157, %parallel_loop3A_158], %parallel_loop3A_153 {strides = array<i32>} : memref<8x2048xf32, #tpu.memory_space<vmem>>, vector<16xf32>,
        %parallel_loop3A_160 = arith.constant 10 : i32
        %parallel_loop3A_161 = vector.broadcast %parallel_loop3A_160 : i32 to vector<16xi32>
        %parallel_loop3A_162 = tpu.vector_load_idx %arg7[%parallel_loop3A_161, %parallel_loop3A_141] : memref<16x2048xf32, #tpu.memory_space<vmem>>[vector<16xi32>, vector<16xi32>], vector<16xf32>,
        %parallel_loop3A_163 = arith.constant 16 : i32
        %parallel_loop3A_164 = arith.muli %parallel_loop3A_137, %parallel_loop3A_163 : i32
        %parallel_loop3A_165 = arith.constant 2 : i32
        %parallel_loop3A_166 = arith.index_cast %parallel_loop3A_165 : i32 to index
        %parallel_loop3A_167 = arith.index_cast %parallel_loop3A_164 : i32 to index
        %parallel_loop3A_168 = tpu.vector_load %arg9[%parallel_loop3A_166, %parallel_loop3A_167] {strides = array<i32>} : memref<8x2048xf32, #tpu.memory_space<vmem>>, vector<16xf32>,
        tpu.vector_store %arg9[%parallel_loop3A_166, %parallel_loop3A_167], %parallel_loop3A_162 {strides = array<i32>} : memref<8x2048xf32, #tpu.memory_space<vmem>>, vector<16xf32>,
        %parallel_loop3A_169 = arith.constant 11 : i32
        %parallel_loop3A_170 = vector.broadcast %parallel_loop3A_169 : i32 to vector<16xi32>
        %parallel_loop3A_171 = tpu.vector_load_idx %arg7[%parallel_loop3A_170, %parallel_loop3A_141] : memref<16x2048xf32, #tpu.memory_space<vmem>>[vector<16xi32>, vector<16xi32>], vector<16xf32>,
        %parallel_loop3A_172 = arith.constant 16 : i32
        %parallel_loop3A_173 = arith.muli %parallel_loop3A_137, %parallel_loop3A_172 : i32
        %parallel_loop3A_174 = arith.constant 3 : i32
        %parallel_loop3A_175 = arith.index_cast %parallel_loop3A_174 : i32 to index
        %parallel_loop3A_176 = arith.index_cast %parallel_loop3A_173 : i32 to index
        %parallel_loop3A_177 = tpu.vector_load %arg9[%parallel_loop3A_175, %parallel_loop3A_176] {strides = array<i32>} : memref<8x2048xf32, #tpu.memory_space<vmem>>, vector<16xf32>,
        tpu.vector_store %arg9[%parallel_loop3A_175, %parallel_loop3A_176], %parallel_loop3A_171 {strides = array<i32>} : memref<8x2048xf32, #tpu.memory_space<vmem>>, vector<16xf32>,
        %parallel_loop3A_178 = arith.constant 12 : i32
        %parallel_loop3A_179 = vector.broadcast %parallel_loop3A_178 : i32 to vector<16xi32>
        %parallel_loop3A_180 = tpu.vector_load_idx %arg7[%parallel_loop3A_179, %parallel_loop3A_141] : memref<16x2048xf32, #tpu.memory_space<vmem>>[vector<16xi32>, vector<16xi32>], vector<16xf32>,
        %parallel_loop3A_181 = arith.constant 16 : i32
        %parallel_loop3A_182 = arith.muli %parallel_loop3A_137, %parallel_loop3A_181 : i32
        %parallel_loop3A_183 = arith.constant 4 : i32
        %parallel_loop3A_184 = arith.index_cast %parallel_loop3A_183 : i32 to index
        %parallel_loop3A_185 = arith.index_cast %parallel_loop3A_182 : i32 to index
        %parallel_loop3A_186 = tpu.vector_load %arg9[%parallel_loop3A_184, %parallel_loop3A_185] {strides = array<i32>} : memref<8x2048xf32, #tpu.memory_space<vmem>>, vector<16xf32>,
        tpu.vector_store %arg9[%parallel_loop3A_184, %parallel_loop3A_185], %parallel_loop3A_180 {strides = array<i32>} : memref<8x2048xf32, #tpu.memory_space<vmem>>, vector<16xf32>,
        %parallel_loop3A_187 = arith.constant 13 : i32
        %parallel_loop3A_188 = vector.broadcast %parallel_loop3A_187 : i32 to vector<16xi32>
        %parallel_loop3A_189 = tpu.vector_load_idx %arg7[%parallel_loop3A_188, %parallel_loop3A_141] : memref<16x2048xf32, #tpu.memory_space<vmem>>[vector<16xi32>, vector<16xi32>], vector<16xf32>,
        %parallel_loop3A_190 = arith.constant 16 : i32
        %parallel_loop3A_191 = arith.muli %parallel_loop3A_137, %parallel_loop3A_190 : i32
        %parallel_loop3A_192 = arith.constant 5 : i32
        %parallel_loop3A_193 = arith.index_cast %parallel_loop3A_192 : i32 to index
        %parallel_loop3A_194 = arith.index_cast %parallel_loop3A_191 : i32 to index
        %parallel_loop3A_195 = tpu.vector_load %arg9[%parallel_loop3A_193, %parallel_loop3A_194] {strides = array<i32>} : memref<8x2048xf32, #tpu.memory_space<vmem>>, vector<16xf32>,
        tpu.vector_store %arg9[%parallel_loop3A_193, %parallel_loop3A_194], %parallel_loop3A_189 {strides = array<i32>} : memref<8x2048xf32, #tpu.memory_space<vmem>>, vector<16xf32>,
        %parallel_loop3A_196 = arith.constant 14 : i32
        %parallel_loop3A_197 = vector.broadcast %parallel_loop3A_196 : i32 to vector<16xi32>
        %parallel_loop3A_198 = tpu.vector_load_idx %arg7[%parallel_loop3A_197, %parallel_loop3A_141] : memref<16x2048xf32, #tpu.memory_space<vmem>>[vector<16xi32>, vector<16xi32>], vector<16xf32>,
        %parallel_loop3A_199 = arith.constant 16 : i32
        %parallel_loop3A_200 = arith.muli %parallel_loop3A_137, %parallel_loop3A_199 : i32
        %parallel_loop3A_201 = arith.constant 6 : i32
        %parallel_loop3A_202 = arith.index_cast %parallel_loop3A_201 : i32 to index
        %parallel_loop3A_203 = arith.index_cast %parallel_loop3A_200 : i32 to index
        %parallel_loop3A_204 = tpu.vector_load %arg9[%parallel_loop3A_202, %parallel_loop3A_203] {strides = array<i32>} : memref<8x2048xf32, #tpu.memory_space<vmem>>, vector<16xf32>,
        tpu.vector_store %arg9[%parallel_loop3A_202, %parallel_loop3A_203], %parallel_loop3A_198 {strides = array<i32>} : memref<8x2048xf32, #tpu.memory_space<vmem>>, vector<16xf32>,
        %parallel_loop3A_205 = arith.constant 15 : i32
        %parallel_loop3A_206 = vector.broadcast %parallel_loop3A_205 : i32 to vector<16xi32>
        %parallel_loop3A_207 = tpu.vector_load_idx %arg7[%parallel_loop3A_206, %parallel_loop3A_141] : memref<16x2048xf32, #tpu.memory_space<vmem>>[vector<16xi32>, vector<16xi32>], vector<16xf32>,
        %parallel_loop3A_208 = arith.constant 16 : i32
        %parallel_loop3A_209 = arith.muli %parallel_loop3A_137, %parallel_loop3A_208 : i32
        %parallel_loop3A_210 = arith.constant 7 : i32
        %parallel_loop3A_211 = arith.index_cast %parallel_loop3A_210 : i32 to index
        %parallel_loop3A_212 = arith.index_cast %parallel_loop3A_209 : i32 to index
        %parallel_loop3A_213 = tpu.vector_load %arg9[%parallel_loop3A_211, %parallel_loop3A_212] {strides = array<i32>} : memref<8x2048xf32, #tpu.memory_space<vmem>>, vector<16xf32>,
        tpu.vector_store %arg9[%parallel_loop3A_211, %parallel_loop3A_212], %parallel_loop3A_207 {strides = array<i32>} : memref<8x2048xf32, #tpu.memory_space<vmem>>, vector<16xf32>,
      } {sc.loop_unroll_factor = 4 : i64, sc.parallel_access}
      %mul3A_120 = arith.constant 16 : i32
      %mul3A_121 = arith.muli %add3A_87, %mul3A_120 : i32
      %add3A_122 = arith.addi %mul3A_2, %mul3A_121 : i32
      %add3A_123 = arith.constant 8 : i32
      %add3A_124 = arith.addi %add3A_122, %add3A_123 : i32
      %dma_start3A_125 = arith.constant 0 : i32
      %dma_start3A_126 = tpu.memref_slice %arg4[%add3A_124, %dma_start3A_125] : memref<32768x2048xf32, #tpu.memory_space<hbm>> -> memref<8x2048xf32, #tpu.memory_space<hbm>>
      %dma_start3A_127 = arith.constant 0 : i32
      %dma_start3A_128 = tpu.memref_slice %arg4[%add3A_124, %dma_start3A_127] : memref<32768x2048xf32, #tpu.memory_space<hbm>> -> memref<8x2048xf32, #tpu.memory_space<hbm>>
      tpu.enqueue_dma source(%arg9 : memref<8x2048xf32, #tpu.memory_space<vmem>>) target(%dma_start3A_128 : memref<8x2048xf32, #tpu.memory_space<hbm>>) target_semaphore(%arg13 : memref<!tpu.dma_semaphore, #tpu.memory_space<semaphore_mem>>)
      %add3A_129 = arith.constant 2 : i32
      %add3A_130 = arith.addi %add3A_87, %add3A_129 : i32
      %lt3A_131 = arith.constant 64 : i32
      %lt3A_132 = arith.cmpi slt, %add3A_130, %lt3A_131 : i32
      %convert_element_type3A_133 = arith.extui %lt3A_132 : i1 to i32
      %cond3A_134 = arith.constant 0 : i32
      %cond3A_135 = arith.cmpi ne, %convert_element_type3A_133, %cond3A_134 : i32
      scf.if %cond3A_135 {
        %add3A_137 = arith.constant 2 : i32
        %add3A_138 = arith.addi %add3A_87, %add3A_137 : i32
        %mul3A_139 = arith.constant 16 : i32
        %mul3A_140 = arith.muli %add3A_138, %mul3A_139 : i32
        %add3A_141 = arith.addi %mul3A_2, %mul3A_140 : i32
        %dma_start3A_142 = arith.constant 0 : i32
        %dma_start3A_143 = tpu.memref_slice %arg2[%add3A_141, %dma_start3A_142] : memref<32768x2048xf32, #tpu.memory_space<hbm>> -> memref<16x2048xf32, #tpu.memory_space<hbm>>
        %dma_start3A_144 = arith.constant 0 : i32
        %dma_start3A_145 = tpu.memref_slice %arg2[%add3A_141, %dma_start3A_144] : memref<32768x2048xf32, #tpu.memory_space<hbm>> -> memref<16x2048xf32, #tpu.memory_space<hbm>>
        tpu.enqueue_dma source(%dma_start3A_145 : memref<16x2048xf32, #tpu.memory_space<hbm>>) target(%arg7 : memref<16x2048xf32, #tpu.memory_space<vmem>>) target_semaphore(%arg11 : memref<!tpu.dma_semaphore, #tpu.memory_space<semaphore_mem>>)
      } else {
      }
      %scan3A_136 = arith.constant 0 : i32
      scf.yield %scan3A_136 : i32
    }
    %scan3A_19 = arith.constant 32 : i32
    %add3A_20 = arith.constant 1008 : i32
    %add3A_21 = arith.addi %mul3A_2, %add3A_20 : i32
    %add3A_22 = arith.constant 0 : i32
    %add3A_23 = arith.addi %add3A_21, %add3A_22 : i32
    %dma_wait3A = arith.constant 0 : i32
    %dma_wait3A_24 = tpu.memref_slice %arg4[%add3A_23, %dma_wait3A] : memref<32768x2048xf32, #tpu.memory_space<hbm>> -> memref<8x2048xf32, #tpu.memory_space<hbm>>
    %dma_wait3A_25 = arith.constant 0 : i32
    %dma_wait3A_26 = tpu.memref_slice %arg4[%add3A_23, %dma_wait3A_25] : memref<32768x2048xf32, #tpu.memory_space<hbm>> -> memref<8x2048xf32, #tpu.memory_space<hbm>>
    tpu.wait_dma2 semaphore(%arg12 : memref<!tpu.dma_semaphore, #tpu.memory_space<semaphore_mem>>) src(%arg8 : memref<8x2048xf32, #tpu.memory_space<vmem>>) dst(%dma_wait3A_26 : memref<8x2048xf32, #tpu.memory_space<hbm>>)
    %add3A_27 = arith.constant 1008 : i32
    %add3A_28 = arith.addi %mul3A_2, %add3A_27 : i32
    %add3A_29 = arith.constant 8 : i32
    %add3A_30 = arith.addi %add3A_28, %add3A_29 : i32
    %dma_wait3A_31 = arith.constant 0 : i32
    %dma_wait3A_32 = tpu.memref_slice %arg4[%add3A_30, %dma_wait3A_31] : memref<32768x2048xf32, #tpu.memory_space<hbm>> -> memref<8x2048xf32, #tpu.memory_space<hbm>>
    %dma_wait3A_33 = arith.constant 0 : i32
    %dma_wait3A_34 = tpu.memref_slice %arg4[%add3A_30, %dma_wait3A_33] : memref<32768x2048xf32, #tpu.memory_space<hbm>> -> memref<8x2048xf32, #tpu.memory_space<hbm>>
    tpu.wait_dma2 semaphore(%arg13 : memref<!tpu.dma_semaphore, #tpu.memory_space<semaphore_mem>>) src(%arg9 : memref<8x2048xf32, #tpu.memory_space<vmem>>) dst(%dma_wait3A_34 : memref<8x2048xf32, #tpu.memory_space<hbm>>)
    return
  }
}

</mosaic_0001>

<sc_bundles>
// kernel: kernel.3.cloned.1.call-start
scs
__scs_entry_jumppad:
0x0: {  	(pc) =	sbr.rel $0x88, $3  }
0x1: {  	(tag) =	ssettag $0x0;
	lr =	simm.s32 $0x1  }
0x2: {  	[smem:$0x3F9F] =	sst lr;
	_ =	strace $0xD0000000  }
0x3: {  	_ = 	snop  }
0x4: {  	_ = 	snop  }
0x5: {  	_ = 	snop  }
0x6: {  	_ = 	snop  }
0x7: {  	_ = 	snop  }
__scs_overlays_trampoline_lowered:
0x8: {  	[smem:$0x3FAE] =	sst s0  }
0x9: {  	[smem:$0x3FAF] =	sst s1  }
0xa: {  	[smem:$0x3FB0] =	sst s2  }
0xb: {  	[smem:$0x3FB1] =	sst s3  }
0xc: {  	[smem:$0x3FB2] =	sst s4  }
0xd: {  	[smem:$0x3FB3] =	sst s5  }
0xe: {  	[smem:$0x3FB4] =	sst s6  }
0xf: {  	[smem:$0x3FB5] =	sst s7  }
0x10: {  	[smem:$0x3FB6] =	sst s8  }
0x11: {  	[smem:$0x3FB7] =	sst s9;
	s0 =	simm.s32 @!p0 $0x0  }
0x12: {  	s1 =	sld [smem:$0x3F9D];
	s0 =	simm.s32 @p0 $0x1  }
0x13: {  	[smem:$0x3FB8] =	sst s0;
	s0 =	simm.s32 @!p1 $0x0  }
0x14: {  	s2 =	sld [smem:$0x3F9C];
	s0 =	simm.s32 @p1 $0x1  }
0x15: {  	[smem:$0x3FB9] =	sst s0;
	s0 =	simm.s32 @!p2 $0x0  }
0x16: {  	s3 =	sld [smem:$0x3FDB];
	s0 =	simm.s32 @p2 $0x1  }
0x17: {  	s4 =	simm.s32 $0x1BF5;
	[smem:$0x3FBB] =	sst s0  }
0x18: {  	s0 =	sld [smem:$0x3F9E];
	_ =	swait.ge [sflag:s4], $0x0  }
0x19: {  	s7 =	sld [smem:$0x3F9F]  }
0x1a: {  	s8 =	sadd.s32 $0xFFFFE003, lr  }
0x1b: {  	s9 =	sadd.s32 $0xFFFFFEF7, lr;
	s5 =	simm.s32 $0xFFFFFFFF;
	p2 =	slt.u32 s8, $0xFFFFF086  }
0x1c: {  	p1 =	slt.u32 s9, $0xF7A;
	s5 =	simm.s32 @!p2 $0x0  }
0x1d: {  	s5 =	simm.s32 @p1 $0x1;
	p0 =	seq.s32 s7, s2  }
0x1e: {  	s7 =	smul.u32 @!p0 $0xF7A, s2;
	p2 =	seq.s32 @!p0 s5, $0x0  }
0x1f: {  	s9 =	smul.u32 $0xF7A, s1;
	s8 =	simm.s32 @!p0 $0x1BF5;
	p2 =	por !p2, p0  }
0x20: {  	[sflag:s8] =	ssyncset.s32 @!p0 $0xFFFFF086;
	s6 =	sadd.s32 @!p0 s3, s7;
	s7 =	simm.s32 @!p0 $0x108  }
0x21: {  	s3 =	sadd.s32 s3, s9;
	s6 =	sadd.s32 @!p0 $0x88, s6;
	s7 =	simm.s32 @p2 $0x1082  }
0x22: {  	[simem:s7], [sflag:s8] =	dma.local @!p0 [hbm:s6], $0xF7A  }
0x23: {  	s9 =	sor.u32 $0xD0000000, s2;
	s6 =	simm.s32 $0x108;
	_ =	swait.ge @!p0 [sflag:s8], $0x0  }
0x24: {  	s3 =	sadd.s32 $0x88, s3;
	s6 =	simm.s32 @!p1 $0x1082;
	[sflag:s4] =	ssyncset.s32 $0xFFFFF086  }
0x25: {  	[simem:s6], [sflag:s4] =	dma.local [hbm:s3], $0xF7A  }
0x26: {  	[smem:$0x3F9F] =	sst s1;
	(tag) =	ssettag s2;
	_ =	strace s9  }
0x27: {  	s1 =	sld [smem:$0x3FAF]  }
0x28: {  	s2 =	sld [smem:$0x3FB0]  }
0x29: {  	s4 =	sld [smem:$0x3FB2]  }
0x2a: {  	p0 =	seq.s32 s5, $0x0;
	s5 =	sld [smem:$0x3FB3]  }
0x2b: {  	s6 =	sld [smem:$0x3FB4]  }
0x2c: {  	s7 =	sld [smem:$0x3FB5]  }
0x2d: {  	s3 =	simm.s32 $0x108;
	s8 =	sld [smem:$0x3FB6]  }
0x2e: {  	s3 =	simm.s32 @!p0 $0x1082;
	s9 =	sld [smem:$0x3FB7]  }
0x2f: {  	lr =	sadd.s32 s0, s3;
	s0 =	sld [smem:$0x3FAE]  }
0x30: {  	s3 =	sld [smem:$0x3FB1]  }
0x31: {  	[smem:$0x3FBA] =	sst s10  }
0x32: {  	s10 =	sld [smem:$0x3FB8];
	_ =	sdelay $0x3  }
0x33: {  	p0 =	seq.s32 s10, $0x1;
	s10 =	sld [smem:$0x3FBA];
	_ =	sdelay $0x3  }
0x34: {  	[smem:$0x3FBA] =	sst s10  }
0x35: {  	s10 =	sld [smem:$0x3FB9];
	_ =	sdelay $0x3  }
0x36: {  	p1 =	seq.s32 s10, $0x1;
	s10 =	sld [smem:$0x3FBA];
	_ =	sdelay $0x3  }
0x37: {  	[smem:$0x3FBA] =	sst s10  }
0x38: {  	s10 =	sld [smem:$0x3FBB]  }
0x39: {  	_ = 	snop;
	(pc) =	sbr.ind lr, $3  }
0x3a: {  	_ = 	snop  }
0x3b: {  	_ = 	snop  }
0x3c: {  	p2 =	seq.s32 s10, $0x1;
	s10 =	sld [smem:$0x3FBA]  }
0x3d: {  	_ =	shalt  }
0x3e: {  	_ =	shalt  }
0x3f: {  	_ =	shalt  }
0x40: {  	_ =	shalt  }
0x41: {  	_ =	shalt  }
0x42: {  	_ =	shalt  }
0x43: {  	_ =	shalt  }
0x44: {  	_ =	shalt  }
0x45: {  	_ =	shalt  }
0x46: {  	_ =	shalt  }
0x47: {  	_ =	shalt  }
0x48: {  	_ =	shalt  }
0x49: {  	_ =	shalt  }
0x4a: {  	_ =	shalt  }
0x4b: {  	_ =	shalt  }
0x4c: {  	_ =	shalt  }
0x4d: {  	_ =	shalt  }
0x4e: {  	_ =	shalt  }
0x4f: {  	_ =	shalt  }
0x50: {  	_ =	shalt  }
0x51: {  	_ =	shalt  }
0x52: {  	_ =	shalt  }
0x53: {  	_ =	shalt  }
0x54: {  	_ =	shalt  }
0x55: {  	_ =	shalt  }
0x56: {  	_ =	shalt  }
0x57: {  	_ =	shalt  }
0x58: {  	_ =	shalt  }
0x59: {  	_ =	shalt  }
0x5a: {  	_ =	shalt  }
0x5b: {  	_ =	shalt  }
0x5c: {  	_ =	shalt  }
0x5d: {  	_ =	shalt  }
0x5e: {  	_ =	shalt  }
0x5f: {  	_ =	shalt  }
0x60: {  	_ =	shalt  }
0x61: {  	_ =	shalt  }
0x62: {  	_ =	shalt  }
0x63: {  	_ =	shalt  }
0x64: {  	_ =	shalt  }
0x65: {  	_ =	shalt  }
0x66: {  	_ =	shalt  }
0x67: {  	_ =	shalt  }
0x68: {  	_ =	shalt  }
0x69: {  	_ =	shalt  }
0x6a: {  	_ =	shalt  }
0x6b: {  	_ =	shalt  }
0x6c: {  	_ =	shalt  }
0x6d: {  	_ =	shalt  }
0x6e: {  	_ =	shalt  }
0x6f: {  	_ =	shalt  }
0x70: {  	_ =	shalt  }
0x71: {  	_ =	shalt  }
0x72: {  	_ =	shalt  }
0x73: {  	_ =	shalt  }
0x74: {  	_ =	shalt  }
0x75: {  	_ =	shalt  }
0x76: {  	_ =	shalt  }
0x77: {  	_ =	shalt  }
0x78: {  	_ =	shalt  }
0x79: {  	_ =	shalt  }
0x7a: {  	_ =	shalt  }
0x7b: {  	_ =	shalt  }
0x7c: {  	_ =	shalt  }
0x7d: {  	_ =	shalt  }
0x7e: {  	_ =	shalt  }
0x7f: {  	_ =	shalt  }
0x80: {  	_ =	shalt  }
0x81: {  	_ =	shalt  }
0x82: {  	_ =	shalt  }
0x83: {  	_ =	shalt  }
0x84: {  	_ =	shalt  }
0x85: {  	_ =	shalt  }
0x86: {  	_ =	shalt  }
0x87: {  	_ =	shalt  }
.Lfunc_end0:
.L_simem_size_0:
called_computation_lowered:
.L_overlay_start_0:
0x88: {  	s2 =	sld [smem:$0x3FD9]  }
0x89: {  	s3 =	sld [smem:$0x3FFE];
	_ =	sdelay $0x1  }
0x8a: {  	s1 =	srdreg.scid  }
0x8b: {  	s0 =	sand.u32 $0x1, s1  }
0x8c: {  	s18 =	sshll.u32 s0, $0xA;
	s2 =	sadd.s32 s3, s2  }
0x8d: {  	s2 =	sadd.s32 s2, s18  }
0x8e: {  	[smem:$0x3FC6] =	sst s2  }
0x8f: {  	_ = 	snop  }
0x90: {  	s2 =	sld [smem:$0x3FC9]  }
0x91: {  	s19 =	sld [smem:$0x3FC8]  }
0x92: {  	s4 =	sld [smem:$0x3FD0];
	(tm) =	ssettm $0x1  }
0x93: {  	s5 =	sld [smem:$0x3FFB];
	_ =	sdelay $0x3  }
0x94: {  	_ =	strace s5  }
0x95: {  	s5 =	sld [smem:$0x3FFC];
	_ =	sdelay $0x3  }
0x96: {  	_ =	strace s5  }
0x97: {  	s5 =	sld [smem:$0x3FFD];
	_ =	sdelay $0x3  }
0x98: {  	_ =	strace s5  }
0x99: {  	_ =	strace $0x8FFFFFFF  }
0x9a: {  	s20 =	sld [smem:$0x3FDB];
	_ =	sdelay $0x1  }
0x9b: {  	s6 =	simm.s32 $_scs_section_size  }
0x9c: {  	s7 =	simm.s32 $_size__tile_overlayer_lowered;
	s8 =	simm.s32 $_tile_overlayer_lowered  }
0x9d: {  	s23 =	simm.s32 $0x1BFF;
	s22 =	sshll.u32 s8, $0x1;
	s5 =	sadd.s32 s6, s20  }
0x9e: {  	s9 =	simm.s32 $0x0;
	s21 =	sshll.u32 s7, $0x1;
	s7 =	sadd.s32 s22, s5  }
0x9f: {  	[timem:s9], [sflag:s23] =	dma.local [hbm:s7], s21  }
0xa0: {  	_ =	swait.ge [sflag:s23], s21  }
0xa1: {  	s6 =	ssub.s32 $0x0, s21;
	[sflag:s23] =	ssyncset.done $0x0  }
0xa2: {  	[sflag:s23] =	ssyncadd.s32 s6;
	_ =	sdelay $0x1  }
0xa3: {  	s24 =	simm.s32 $0x1B8B  }
0xa4: {  	_ =	swait.ge [sflag:s24], $0x1  }
0xa5: {  	[sflag:s24] =	ssyncset.done $0x0  }
0xa6: {  	s25 =	simm.s32 $0x1B8E;
	[sflag:s24] =	ssyncadd.s32 $0xFFFFFFFF  }
0xa7: {  	s26 =	simm.s32 $execute0_lowered;
	[smem:$0x3FD2] =	sst s25  }
0xa8: {  	s6 =	sshll.u32 s26, $0x1;
	_ =	strace $0x80000046;
	[dreg:$0x1] =	wrdreg $0xFFFFFFFF  }
0xa9: {  	s28 =	simm.s32 $_size_execute0_lowered;
	s5 =	sadd.s32 s5, s6;
	[dreg:$0x0] =	wrdreg $0x0  }
0xaa: {  	s6 =	sshll.u32 s28, $0x1;
	[dreg:$0x2] =	wrdreg s5  }
0xab: {  	[dreg:$0x3] =	wrdreg s6  }
0xac: {  	[dreg:$0x4] =	wrdreg $0xC0  }
0xad: {  	_ =	task [dreg:s9], $0x5FFFF  }
0xae: {  	[dreg:$0x1] =	wrdreg $0xFFFFFFFF  }
0xaf: {  	[dreg:$0x0] =	wrdreg $0x60  }
0xb0: {  	[dreg:$0x2] =	wrdreg s2  }
0xb1: {  	[dreg:$0x3] =	wrdreg s19  }
0xb2: {  	[dreg:$0x4] =	wrdreg s4  }
0xb3: {  	[dreg:$0x5] =	wrdreg $0x9  }
0xb4: {  	_ =	task.clear_ibuf [dreg:s9], $0x6FFFF;
	_ =	strace $0x90000046  }
0xb5: {  	s29 =	simm.s32 $0x9;
	_ =	strace $0x80000048  }
0xb6: {  	_ =	swait.ge [sflag:s29], $0x1  }
0xb7: {  	[sflag:s29] =	ssyncadd.s32 $0xFFFFFFFF  }
0xb8: {  	_ =	strace $0x90000048  }
0xb9: {  	_ =	sfence  }
0xba: {  	s30 =	sld [smem:$0x0];
	_ =	sdelay $0x2  }
0xbb: {  	s31 =	sshll.u32 s1, $0xD;
	s1 =	sshrl.u32 s1, $0x2  }
0xbc: {  	s3 =	sand.u32 $0x4000, s31;
	s1 =	sadd.s32 s1, s30  }
0xbd: {  	s0 =	sor.u32 s3, s0;
	s1 =	sshll.u32 s1, $0x11  }
0xbe: {  	s0 =	sor.u32 s1, s0  }
0xbf: {  	s0 =	sadd.s32 $0x8F2B, s0  }
0xc0: {  	[sflag:s0] =	ssyncadd.remote.s32 $0x1  }
0xc1: {  	_ =	sfence.sel $0xFFFF  }
0xc2: {  	[dreg:$0x0] =	wrdreg $0xFFFFFFFF;
	(pc) =	sbr.abs _section_cstart, $3  }
0xc3: {  	[dreg:$0x1] =	wrdreg $0xFFFFFFFF  }
0xc4: {  	_ =	task.clear_ibuf [dreg:s9], $0x2FFFF;
	_ =	strace $0x9FFFFFFF  }
0xc5: {  	(tm) =	ssettm $0x7FFFFFFF  }
tec
execute0_lowered:
.L_overlay_start_1:
0x0: {  	(tag) =	ssettag $0x1  }
0x1: {  	s0 =	rddreg [dreg:$0x0]  }
0x2: {  	s6 =	rddreg [dreg:$0x2];
	s1 =	srdreg.scid;
	s4 =	simm.s32 $0x0  }
0x3: {  	s3 =	stileid.u32;
	s13 =	simm.s32 $0x800;
	s1 =	sand.u32 $0x1, s1  }
0x4: {  	s3 =	sshll.u32 s3, $0x13;
	s2 =	ssub.s32 $0x2, s1;
	s1 =	sshll.u32 s1, $0x12  }
0x5: {  	s14 =	simm.s32 $0x8800;
	[smem:$0x7FF] =	sst s4;
	s3 =	sor.u32 s1, s3  }
0x6: {  	_ =	strace $0x80000047;
	[dreg:$0x4] =	wrdreg s3;
	s0 =	sadd.s32 s0, s3  }
.Ltmp0:
0x7: {  	s29 =	sadd.s32 $0x1000, s0;
	[dreg:$0x5] =	wrdreg s0;
	(pc) =	sbr.rel .LBB2_1-.Ltmp0, $4  }
0x8: {  	s5 =	sshrl.u32 s2, $0x1;
	s30 =	sadd.s32 $0x2000, s0;
	[dreg:$0x6] =	wrdreg s29  }
0x9: {  	s28 =	ssub.s32 s2, s5;
	s0 =	sadd.s32 $0x3000, s0;
	[dreg:$0x7] =	wrdreg s30  }
0xa: {  	s20 =	simm.s32 $0x4;
	s31 =	smax.u32 s28, $0x1;
	[dreg:$0x8] =	wrdreg s0  }
0xb: {  	s8 =	sadd.s32 $0x800, s6;
	s1 =	simm.s32 $0x0;
	[dreg:$0x9] =	wrdreg s31  }
.LBB2_12:
0xc: {  	s0 =	simm.s32 $0x3  }
0xd: {  	_ =	swait.ge [sflag:s0], $0x4000  }
0xe: {  	[sflag:s0] =	ssyncset.done $0x0  }
0xf: {  	[sflag:s0] =	ssyncadd.s32 $0xFFFFC000  }
0x10: {  	_ =	swait.ge [sflag:s20], $0x4000  }
0x11: {  	s1 =	rddreg [dreg:$0xa]  }
0x12: {  	s31 =	rddreg [dreg:$0x9];
	s1 =	sadd.s32 $0x1, s1  }
0x13: {  	p0 =	sne.s32 s1, s31  }
.Ltmp1:
0x14: {  	_ = 	snop;
	(pc) =	sbr.rel @!p0 .LBB2_13-.Ltmp1, $3  }
0x15: {  	_ =	sdelay $0x1  }
0x16: {  	[sflag:s20] =	ssyncset.done $0x0  }
0x17: {  	[sflag:s20] =	ssyncadd.s32 $0xFFFFC000  }
.LBB2_1:
0x18: {  	[dreg:$0xa] =	wrdreg s1  }
0x19: {  	s0 =	rddreg [dreg:$0x1];
	s29 =	simm.s32 $0x5  }
0x1a: {  	[tilespmem:s4], [sflag:$0x5] =	stream.linear.gather [hbm4b:s0+s4], $0x800, $0x38;
	[tilespmem:$0x18800] =	vst v63  }
0x1b: {  	_ =	swait.ge [sflag:s29], $0x800  }
0x1c: {  	[sflag:s29] =	ssyncset.done $0x0  }
0x1d: {  	s30 =	rddreg [dreg:$0x5];
	[sflag:s29] =	ssyncadd.s32 $0xFFFFF800  }
0x1e: {  	[tilespmem:s13], [sflag:$0x1] =	stream.linear.gather [hbm4b:s30+s4], $0x8000, $0x38;
	[tilespmem:$0x18800] =	vst v63  }
0x1f: {  	s22 =	simm.s32 $0x0;
	s31 =	rddreg [dreg:$0x6]  }
0x20: {  	[tilespmem:s14], [sflag:$0x2] =	stream.linear.gather [hbm4b:s31+s4], $0x8000, $0x38;
	[tilespmem:$0x18800] =	vst v63  }
.LBB2_2:
0x21: {  	s0 =	simm.s32 $0x1  }
0x22: {  	_ =	swait.ge [sflag:s0], $0x8000  }
0x23: {  	p0 =	seq.s32 s22, $0x0;
	[sflag:s0] =	ssyncset.done $0x0  }
0x24: {  	s1 =	simm.s32 $0x0;
	[sflag:s0] =	ssyncadd.s32 $0xFFFF8000;
	s0 =	simm.s32 @!p0 $0x3  }
0x25: {  	s2 =	sand.u32 $0x40, s1;
	_ =	swait.ge @!p0 [sflag:s0], $0x4000  }
0x26: {  	s3 =	sand.u32 $0x780, s1;
	s5 =	sor.u32 $0x30, s2;
	[sflag:s0] =	ssyncset.done @!p0 $0x0  }
0x27: {  	s19 =	sor.u32 s5, s3;
	[sflag:s0] =	ssyncadd.s32 @!p0 $0xFFFFC000  }
0x28: {  	v0 =	vld [tilespmem:s19+$0x0]  }
0x29: {  	s21 =	sor.u32 $0x10, s2;
	v1 =	vld [tilespmem:s1+$0x0]  }
0x2a: {  	s6 =	sor.u32 $0x20, s2;
	s7 =	sor.u32 s21, s3  }
0x2b: {  	s3 =	sor.u32 s6, s3;
	v2 =	vld [tilespmem:s7+$0x0]  }
0x2c: {  	v3 =	vld [tilespmem:s3+$0x0]  }
0x2d: {  	v4 =	vshll.u32 v0, $0x3  }
0x2e: {  	v5 =	vshll.u32 v1, $0x3;
	v0 =	vand.u32 $0x7F, v0;
	v4 =	vand.u32 $0xFFFFFC00, v4  }
0x2f: {  	v1 =	vand.u32 $0x7F, v1;
	v6 =	vand.u32 $0xFFFFFC00, v5;
	v5 =	vor.u32 v0, v4  }
0x30: {  	v0 =	vor.u32 v1, v6;
	v1 =	vshll.u32 v2, $0x3  }
0x31: {  	v4 =	vshll.u32 v3, $0x3;
	v2 =	vand.u32 $0x7F, v2;
	v1 =	vand.u32 $0xFFFFFC00, v1  }
0x32: {  	v6 =	vand.u32 $0xFFFFFC00, v4;
	v4 =	vor.u32 v2, v1;
	v1 =	vand.u32 $0x7F, v3  }
0x33: {  	v3 =	vor.u32 v1, v6  }
0x34: {  	v1 =	vld.idx.msk [tilespmem:v5+s13+$0x0], $0xffff  }
0x35: {  	v6 =	vor.u32 $0x80, v5;
	v2 =	vld.idx.msk [tilespmem:v0+s13+$0x0], $0xffff  }
0x36: {  	s1 =	sand.u32 $0x3C00, s1;
	v7 =	vor.u32 $0x80, v0  }
0x37: {  	s1 =	sadd.s32 $0x10800, s1;
	v8 =	vld.idx.msk [tilespmem:v4+s13+$0x0], $0xffff  }
0x38: {  	s5 =	sor.u32 s5, s1;
	v9 =	vor.u32 $0x80, v4;
	v10 =	vld.idx.msk [tilespmem:v3+s13+$0x0], $0xffff  }
0x39: {  	s2 =	sor.u32 s2, s1;
	v11 =	vor.u32 $0x80, v3;
	[tilespmem:s5+$0x0] =	vst v1  }
0x3a: {  	[tilespmem:s2+$0x0] =	vst v2;
	v1 =	vld.idx.msk [tilespmem:v6+s13+$0x0], $0xffff  }
0x3b: {  	s9 =	sor.u32 s21, s1;
	v2 =	vld.idx.msk [tilespmem:v7+s13+$0x0], $0xffff;
	v6 =	vor.u32 $0x100, v5  }
0x3c: {  	s6 =	sor.u32 s6, s1;
	v7 =	vor.u32 $0x100, v0;
	[tilespmem:s9+$0x0] =	vst v8  }
0x3d: {  	v8 =	vld.idx.msk [tilespmem:v9+s13+$0x0], $0xffff;
	[tilespmem:s6+$0x0] =	vst v10  }
0x3e: {  	v9 =	vor.u32 $0x100, v4;
	v10 =	vld.idx.msk [tilespmem:v11+s13+$0x0], $0xffff  }
0x3f: {  	v11 =	vor.u32 $0x100, v3;
	[tilespmem:s5+$0x80] =	vst v1  }
0x40: {  	[tilespmem:s2+$0x80] =	vst v2;
	v1 =	vld.idx.msk [tilespmem:v6+s13+$0x0], $0xffff  }
0x41: {  	v2 =	vld.idx.msk [tilespmem:v7+s13+$0x0], $0xffff;
	v6 =	vor.u32 $0x180, v5  }
0x42: {  	v7 =	vor.u32 $0x180, v0;
	[tilespmem:s9+$0x80] =	vst v8  }
0x43: {  	v8 =	vld.idx.msk [tilespmem:v9+s13+$0x0], $0xffff;
	[tilespmem:s6+$0x80] =	vst v10  }
0x44: {  	s24 =	simm.s32 $0x40;
	v9 =	vor.u32 $0x180, v4;
	v10 =	vld.idx.msk [tilespmem:v11+s13+$0x0], $0xffff  }
0x45: {  	s23 =	sand.u32 $0x40, s24;
	v11 =	vld [tilespmem:s24+$0x0];
	[tilespmem:s5+$0x100] =	vst v1  }
0x46: {  	s10 =	sand.u32 $0x780, s24;
	s26 =	sor.u32 $0x30, s23;
	[tilespmem:s2+$0x100] =	vst v2;
	v1 =	vld.idx.msk [tilespmem:v6+s13+$0x0], $0xffff  }
0x47: {  	s29 =	sor.u32 s26, s10;
	v2 =	vor.u32 $0x180, v3;
	v6 =	vld.idx.msk [tilespmem:v7+s13+$0x0], $0xffff  }
0x48: {  	s30 =	sor.u32 $0x10, s23;
	v7 =	vor.u32 $0x200, v5;
	[tilespmem:s9+$0x100] =	vst v8;
	v8 =	vld [tilespmem:s29+$0x0]  }
0x49: {  	s31 =	sor.u32 $0x20, s23;
	s11 =	sor.u32 s30, s10;
	v9 =	vld.idx.msk [tilespmem:v9+s13+$0x0], $0xffff  }
0x4a: {  	s10 =	sor.u32 s31, s10;
	v13 =	vld [tilespmem:s11+$0x0];
	v12 =	vor.u32 $0x200, v4;
	v14 =	vshll.u32 v11, $0x3  }
0x4b: {  	v15 =	vld [tilespmem:s10+$0x0];
	[tilespmem:s6+$0x100] =	vst v10;
	v10 =	vor.u32 $0x200, v0;
	v11 =	vand.u32 $0x7F, v11;
	v14 =	vand.u32 $0xFFFFFC00, v14  }
0x4c: {  	p1 =	por $0x0, $0x0;
	v16 =	vld.idx.msk [tilespmem:v2+s13+$0x0], $0xffff;
	[tilespmem:s5+$0x180] =	vst v1;
	v1 =	vor.u32 v11, v14;
	s5 =	simm.s32 $0x1  }
0x4d: {  	v11 =	vor.u32 $0x200, v3;
	v7 =	vld.idx.msk [tilespmem:v7+s13+$0x0], $0xffff;
	v2 =	vshll.u32 v8, $0x3;
	s5 =	simm.s32 @!p1 $0x0  }
0x4e: {  	v8 =	vand.u32 $0x7F, v8;
	[tilespmem:s9+$0x180] =	vst v9;
	v2 =	vand.u32 $0xFFFFFC00, v2;
	s5 =	sshll.u32 s5, $0x6;
	v9 =	vor.u32 $0x280, v5  }
0x4f: {  	v14 =	vor.u32 $0x280, v4;
	[tilespmem:s2+$0x180] =	vst v6;
	v6 =	vld.idx.msk [tilespmem:v12+s13+$0x0], $0xffff;
	v12 =	vshll.u32 v13, $0x3;
	v2 =	vor.u32 v8, v2;
	s2 =	sadd.s32 $0x0, s5  }
0x50: {  	v8 =	vld.idx.msk [tilespmem:v10+s13+$0x0], $0xffff;
	v10 =	vshll.u32 v15, $0x3;
	v13 =	vand.u32 $0x7F, v13;
	v12 =	vand.u32 $0xFFFFFC00, v12;
	s5 =	sadd.s32 $0x30, s2  }
0x51: {  	v10 =	vand.u32 $0xFFFFFC00, v10;
	[tilespmem:s6+$0x180] =	vst v16;
	v17 =	vld.idx.msk [tilespmem:v1+s13+$0x0], $0xffff;
	v21 =	vor.u32 v13, v12;
	v12 =	vand.u32 $0x7F, v15;
	s12 =	sor.u32 $0x200, s5  }
0x52: {  	s6 =	sadd.s32 $0x10, s2;
	v11 =	vld.idx.msk [tilespmem:v11+s13+$0x0], $0xffff;
	v10 =	vor.u32 v12, v10;
	[tilespmem:s12+$0x10800] =	vst v7  }
0x53: {  	s15 =	sor.u32 $0x200, s6;
	v7 =	vor.u32 $0x280, v0;
	v9 =	vld.idx.msk [tilespmem:v9+s13+$0x0], $0xffff  }
0x54: {  	s25 =	simm.s32 $0x200;
	s17 =	sor.u32 $0x200, s2;
	v12 =	vor.u32 $0x280, v3;
	v13 =	vld.idx.msk [tilespmem:v2+s13+$0x0], $0xffff;
	[tilespmem:s15+$0x10800] =	vst v6  }
0x55: {  	s19 =	sand.u32 $0x3C00, s25;
	s16 =	sadd.s32 $0x20, s2;
	[tilespmem:s17+$0x10800] =	vst v8;
	v8 =	vor.u32 $0x80, v1;
	v6 =	vld.idx.msk [tilespmem:v14+s13+$0x0], $0xffff  }
0x56: {  	s10 =	sadd.s32 $0x10800, s19;
	s18 =	sor.u32 $0x200, s16;
	v14 =	vor.u32 $0x300, v5;
	v15 =	vld.idx.msk [tilespmem:v21+s13+$0x0], $0xffff  }
0x57: {  	s11 =	sor.u32 s23, s10;
	v16 =	vor.u32 $0x80, v2;
	[tilespmem:s18+$0x10800] =	vst v11;
	v18 =	vld.idx.msk [tilespmem:v10+s13+$0x0], $0xffff  }
0x58: {  	s21 =	sor.u32 $0x280, s5;
	v19 =	vor.u32 $0x80, v21;
	[tilespmem:s11+$0x0] =	vst v17;
	v22 =	vld.idx.msk [tilespmem:v7+s13+$0x0], $0xffff  }
0x59: {  	s3 =	sor.u32 s26, s10;
	v7 =	vor.u32 $0x80, v10;
	v11 =	vld.idx.msk [tilespmem:v12+s13+$0x0], $0xffff;
	[tilespmem:s21+$0x10800] =	vst v9  }
0x5a: {  	s23 =	sor.u32 $0x280, s6;
	v9 =	vor.u32 $0x300, v4;
	[tilespmem:s3+$0x0] =	vst v13;
	v8 =	vld.idx.msk [tilespmem:v8+s13+$0x0], $0xffff  }
0x5b: {  	s21 =	sor.u32 s30, s10;
	v13 =	vor.u32 $0x300, v3;
	v12 =	vld.idx.msk [tilespmem:v14+s13+$0x0], $0xffff;
	[tilespmem:s23+$0x10800] =	vst v6  }
0x5c: {  	s1 =	sor.u32 s31, s10;
	v5 =	vor.u32 $0x380, v5;
	v16 =	vld.idx.msk [tilespmem:v16+s13+$0x0], $0xffff;
	[tilespmem:s21+$0x0] =	vst v15  }
0x5d: {  	s26 =	sor.u32 $0x280, s16;
	v17 =	vor.u32 $0x100, v2;
	v15 =	vld.idx.msk [tilespmem:v19+s13+$0x0], $0xffff;
	[tilespmem:s1+$0x0] =	vst v18  }
0x5e: {  	s30 =	sor.u32 $0x280, s2;
	v19 =	vor.u32 $0x100, v1;
	[tilespmem:s26+$0x10800] =	vst v11;
	v7 =	vld.idx.msk [tilespmem:v7+s13+$0x0], $0xffff  }
0x5f: {  	s29 =	sor.u32 $0x300, s5;
	v6 =	vor.u32 $0x100, v21;
	[tilespmem:s30+$0x10800] =	vst v22;
	v23 =	vld.idx.msk [tilespmem:v9+s13+$0x0], $0xffff  }
0x60: {  	v20 =	vor.u32 $0x100, v10;
	v14 =	vld.idx.msk [tilespmem:v13+s13+$0x0], $0xffff;
	[tilespmem:s29+$0x10800] =	vst v12  }
0x61: {  	[tilespmem:s3+$0x80] =	vst v16;
	v16 =	vor.u32 $0x300, v0;
	v24 =	vld.idx.msk [tilespmem:v5+s13+$0x0], $0xffff  }
0x62: {  	v25 =	vor.u32 $0x380, v4;
	[tilespmem:s11+$0x80] =	vst v8;
	v18 =	vld.idx.msk [tilespmem:v17+s13+$0x0], $0xffff  }
0x63: {  	v4 =	vor.u32 $0x380, v21;
	v17 =	vld.idx.msk [tilespmem:v19+s13+$0x0], $0xffff;
	[tilespmem:s21+$0x80] =	vst v15  }
0x64: {  	s0 =	simm.s32 $0x4;
	v11 =	vor.u32 $0x200, v21;
	v22 =	vor.u32 $0x180, v2;
	v13 =	vor.u32 $0x180, v21;
	v19 =	vld.idx.msk [tilespmem:v6+s13+$0x0], $0xffff;
	[tilespmem:s1+$0x80] =	vst v7  }
0x65: {  	s7 =	sor.u32 $0x300, s2;
	s31 =	sor.u32 $0x300, s6;
	s6 =	sor.u32 $0x380, s6;
	v8 =	vor.u32 $0x280, v21;
	v6 =	vor.u32 $0x300, v21;
	v21 =	vor.u32 $0x180, v1;
	v20 =	vld.idx.msk [tilespmem:v20+s13+$0x0], $0xffff  }
0x66: {  	s5 =	sor.u32 $0x380, s5;
	s28 =	sor.u32 $0x380, s16;
	s12 =	sor.u32 $0x300, s16;
	v3 =	vor.u32 $0x380, v3;
	v9 =	vor.u32 $0x200, v10;
	v12 =	vor.u32 $0x180, v10;
	[tilespmem:s31+$0x10800] =	vst v23;
	v15 =	vld.idx.msk [tilespmem:v16+s13+$0x0], $0xffff  }
0x67: {  	s23 =	sshll.u32 s22, $0xD;
	s26 =	sor.u32 $0x380, s2;
	s2 =	simm.s32 $0x80;
	v5 =	vor.u32 $0x300, v10;
	v7 =	vor.u32 $0x280, v10;
	v10 =	vor.u32 $0x380, v10;
	v16 =	vld.idx.msk [tilespmem:v25+s13+$0x0], $0xffff;
	[tilespmem:s5+$0x10800] =	vst v24  }
.LBB2_3:
0x68: {  	v23 =	vld [tilespmem:s2+$0x0];
	[tilespmem:s3+$0x100] =	vst v18;
	s24 =	sadd.s32 $0x40, s24  }
0x69: {  	s0 =	sadd.s32 $0x4, s0;
	s5 =	sand.u32 $0x40, s24;
	[tilespmem:s11+$0x100] =	vst v17;
	v17 =	vld.idx.msk [tilespmem:v22+s13+$0x0], $0xffff  }
0x6a: {  	s15 =	sand.u32 $0x780, s24;
	p2 =	slt.u32 s0, $0x7C;
	s9 =	sor.u32 $0x30, s5;
	v18 =	vld.idx.msk [tilespmem:v21+s13+$0x0], $0xffff;
	[tilespmem:s21+$0x100] =	vst v19  }
0x6b: {  	s16 =	sor.u32 $0x10, s5;
	s10 =	sor.u32 $0x20, s5;
	v19 =	vor.u32 $0x200, v2;
	s17 =	sor.u32 s9, s15;
	v13 =	vld.idx.msk [tilespmem:v13+s13+$0x0], $0xffff;
	[tilespmem:s1+$0x100] =	vst v20  }
0x6c: {  	v21 =	vor.u32 $0x200, v1;
	s18 =	sor.u32 s16, s15;
	s15 =	sor.u32 s10, s15;
	v20 =	vld [tilespmem:s17+$0x0];
	[tilespmem:s12+$0x10800] =	vst v14  }
0x6d: {  	v14 =	vld [tilespmem:s18+$0x0];
	[tilespmem:s7+$0x10800] =	vst v15  }
0x6e: {  	v15 =	vshll.u32 v23, $0x3;
	v22 =	vld [tilespmem:s15+$0x0];
	[tilespmem:s6+$0x10800] =	vst v16  }
0x6f: {  	v16 =	vand.u32 $0x7F, v23;
	v15 =	vand.u32 $0xFFFFFC00, v15;
	v12 =	vld.idx.msk [tilespmem:v12+s13+$0x0], $0xffff;
	[tilespmem:s3+$0x180] =	vst v17;
	v17 =	vor.u32 $0x380, v0;
	v0 =	vmovc v1  }
0x70: {  	p1 =	por !p1, !p1;
	v1 =	vor.u32 v16, v15;
	s3 =	simm.s32 $0x1;
	[tilespmem:s11+$0x180] =	vst v18;
	v15 =	vld.idx.msk [tilespmem:v19+s13+$0x0], $0xffff  }
0x71: {  	s3 =	simm.s32 @!p1 $0x0;
	v16 =	vshll.u32 v20, $0x3;
	v18 =	vld.idx.msk [tilespmem:v21+s13+$0x0], $0xffff;
	[tilespmem:s21+$0x180] =	vst v13  }
0x72: {  	v13 =	vand.u32 $0x7F, v20;
	s3 =	sshll.u32 s3, $0x6;
	v16 =	vand.u32 $0xFFFFFC00, v16;
	v19 =	vld.idx.msk [tilespmem:v11+s13+$0x0], $0xffff;
	v11 =	vor.u32 $0x280, v2  }
0x73: {  	v20 =	vshll.u32 v14, $0x3;
	s3 =	sadd.s32 s3, s25;
	v21 =	vshll.u32 v22, $0x3;
	v16 =	vor.u32 v13, v16;
	v23 =	vld.idx.msk [tilespmem:v3+s13+$0x0], $0xffff;
	v3 =	vmovc v10  }
0x74: {  	v10 =	vand.u32 $0x7F, v14;
	v13 =	vand.u32 $0xFFFFFC00, v20;
	s6 =	sadd.s32 $0x10, s3;
	s11 =	sadd.s32 $0x20, s3;
	s29 =	sadd.s32 $0x30, s3;
	v14 =	vand.u32 $0xFFFFFC00, v21;
	v17 =	vld.idx.msk [tilespmem:v17+s13+$0x0], $0xffff  }
0x75: {  	v10 =	vor.u32 v10, v13;
	v13 =	vand.u32 $0x7F, v22;
	v21 =	vor.u32 $0x280, v0;
	s21 =	sor.u32 $0x200, s6;
	s7 =	sor.u32 $0x200, s29;
	v20 =	vld.idx.msk [tilespmem:v1+s13+$0x0], $0xffff;
	[tilespmem:s1+$0x180] =	vst v12;
	s1 =	sor.u32 $0x200, s11  }
0x76: {  	s12 =	sor.u32 $0x200, s3;
	s30 =	sor.u32 $0x280, s6;
	s18 =	sor.u32 $0x280, s11;
	v22 =	vor.u32 $0x80, v10;
	v24 =	vor.u32 $0x100, v10;
	v14 =	vor.u32 v13, v14;
	v25 =	vld.idx.msk [tilespmem:v9+s13+$0x0], $0xffff;
	[tilespmem:s7+$0x10800] =	vst v15  }
0x77: {  	s17 =	sor.u32 $0x280, s3;
	s15 =	sor.u32 $0x300, s6;
	v13 =	vor.u32 $0x180, v10;
	v15 =	vor.u32 $0x80, v14;
	v26 =	vor.u32 $0x100, v14;
	[tilespmem:s12+$0x10800] =	vst v18;
	s12 =	sor.u32 $0x300, s11;
	v18 =	vld.idx.msk [tilespmem:v11+s13+$0x0], $0xffff  }
0x78: {  	s6 =	sor.u32 $0x380, s6;
	v12 =	vor.u32 $0x180, v14;
	v9 =	vor.u32 $0x200, v14;
	s7 =	sor.u32 $0x300, s3;
	v11 =	vor.u32 $0x200, v10;
	s11 =	sor.u32 $0x380, s11;
	v27 =	vld.idx.msk [tilespmem:v16+s13+$0x0], $0xffff;
	[tilespmem:s21+$0x10800] =	vst v19  }
0x79: {  	v29 =	vor.u32 $0x300, v2;
	s3 =	sor.u32 $0x380, s3;
	v19 =	vor.u32 $0x280, v14;
	v28 =	vld.idx.msk [tilespmem:v8+s13+$0x0], $0xffff;
	v8 =	vor.u32 $0x280, v10;
	[tilespmem:s28+$0x10800] =	vst v23;
	s28 =	smov.u32 s11  }
0x7a: {  	s25 =	sadd.s32 $0x200, s25;
	v32 =	vor.u32 $0x80, v16;
	v30 =	vor.u32 $0x300, v10;
	v31 =	vor.u32 $0x300, v14;
	v23 =	vld.idx.msk [tilespmem:v10+s13+$0x0], $0xffff;
	[tilespmem:s26+$0x10800] =	vst v17;
	s26 =	smov.u32 s3  }
0x7b: {  	v33 =	vor.u32 $0x380, v10;
	s3 =	sand.u32 $0x3C00, s25;
	v17 =	vor.u32 $0x80, v1;
	v10 =	vor.u32 $0x380, v14;
	v34 =	vld.idx.msk [tilespmem:v14+s13+$0x0], $0xffff  }
0x7c: {  	s31 =	sadd.s32 $0x10800, s3;
	v35 =	vld.idx.msk [tilespmem:v21+s13+$0x0], $0xffff;
	[tilespmem:s1+$0x10800] =	vst v25;
	s1 =	sor.u32 $0x280, s29  }
0x7d: {  	s11 =	sor.u32 s5, s31;
	s21 =	sor.u32 s16, s31;
	s3 =	sor.u32 s9, s31;
	v14 =	vld.idx.msk [tilespmem:v7+s13+$0x0], $0xffff;
	[tilespmem:s1+$0x10800] =	vst v18;
	v7 =	vmov v19  }
0x7e: {  	s1 =	sor.u32 s10, s31;
	[tilespmem:s3+$0x0] =	vst v27;
	v18 =	vld.idx.msk [tilespmem:v29+s13+$0x0], $0xffff  }
0x7f: {  	[tilespmem:s11+$0x0] =	vst v20;
	v19 =	vld.idx.msk [tilespmem:v32+s13+$0x0], $0xffff  }
0x80: {  	v20 =	vor.u32 $0x380, v2;
	v2 =	vmov v16;
	v17 =	vld.idx.msk [tilespmem:v17+s13+$0x0], $0xffff;
	[tilespmem:s21+$0x0] =	vst v23  }
0x81: {  	v21 =	vor.u32 $0x100, v2;
	v16 =	vld.idx.msk [tilespmem:v22+s13+$0x0], $0xffff;
	[tilespmem:s1+$0x0] =	vst v34  }
0x82: {  	v22 =	vor.u32 $0x100, v1;
	v15 =	vld.idx.msk [tilespmem:v15+s13+$0x0], $0xffff;
	[tilespmem:s30+$0x10800] =	vst v28  }
0x83: {  	s5 =	sor.u32 $0x300, s29;
	v23 =	vld.idx.msk [tilespmem:v6+s13+$0x0], $0xffff;
	[tilespmem:s18+$0x10800] =	vst v14;
	v6 =	vmov v30  }
0x84: {  	v14 =	vld.idx.msk [tilespmem:v5+s13+$0x0], $0xffff;
	[tilespmem:s5+$0x10800] =	vst v18;
	v5 =	vmov v31  }
0x85: {  	v25 =	vor.u32 $0x300, v0;
	[tilespmem:s3+$0x80] =	vst v19;
	v27 =	vld.idx.msk [tilespmem:v20+s13+$0x0], $0xffff  }
0x86: {  	[tilespmem:s11+$0x80] =	vst v17;
	v18 =	vld.idx.msk [tilespmem:v21+s13+$0x0], $0xffff  }
.Ltmp2:
0x87: {  	v17 =	vld.idx.msk [tilespmem:v22+s13+$0x0], $0xffff;
	[tilespmem:s21+$0x80] =	vst v16;
	(pc) =	sbr.rel @p2 .LBB2_3-.Ltmp2, $4  }
0x88: {  	v22 =	vor.u32 $0x180, v2;
	v19 =	vld.idx.msk [tilespmem:v24+s13+$0x0], $0xffff;
	[tilespmem:s1+$0x80] =	vst v15  }
0x89: {  	v21 =	vor.u32 $0x180, v1;
	v20 =	vld.idx.msk [tilespmem:v26+s13+$0x0], $0xffff;
	[tilespmem:s17+$0x10800] =	vst v35  }
0x8a: {  	s5 =	sor.u32 $0x380, s29;
	v15 =	vld.idx.msk [tilespmem:v25+s13+$0x0], $0xffff;
	[tilespmem:s15+$0x10800] =	vst v23  }
0x8b: {  	s2 =	sadd.s32 $0x40, s2;
	v16 =	vld.idx.msk [tilespmem:v4+s13+$0x0], $0xffff;
	[tilespmem:s5+$0x10800] =	vst v27;
	v4 =	vmov v33  }
0x8c: {  	_ =	sdelay $0x2  }
0x8d: {  	[tilespmem:s3+$0x100] =	vst v18  }
0x8e: {  	v18 =	vld.idx.msk [tilespmem:v22+s13+$0x0], $0xffff;
	[tilespmem:s21+$0x100] =	vst v19  }
0x8f: {  	v19 =	vor.u32 $0x200, v2;
	v13 =	vld.idx.msk [tilespmem:v13+s13+$0x0], $0xffff;
	[tilespmem:s1+$0x100] =	vst v20  }
0x90: {  	v12 =	vld.idx.msk [tilespmem:v12+s13+$0x0], $0xffff;
	_ =	sdelay $0x1  }
0x91: {  	[tilespmem:s11+$0x100] =	vst v17  }
0x92: {  	p1 =	por !p1, !p1;
	s0 =	simm.s32 $0x1;
	v17 =	vld.idx.msk [tilespmem:v21+s13+$0x0], $0xffff;
	[tilespmem:s3+$0x180] =	vst v18  }
0x93: {  	s0 =	simm.s32 @!p1 $0x0;
	v20 =	vor.u32 $0x200, v1;
	v18 =	vld.idx.msk [tilespmem:v19+s13+$0x0], $0xffff;
	[tilespmem:s21+$0x180] =	vst v13  }
0x94: {  	s0 =	sshll.u32 s0, $0x6;
	v13 =	vor.u32 $0x280, v2;
	v11 =	vld.idx.msk [tilespmem:v11+s13+$0x0], $0xffff;
	[tilespmem:s1+$0x180] =	vst v12  }
0x95: {  	s0 =	sadd.s32 s0, s25;
	v9 =	vld.idx.msk [tilespmem:v9+s13+$0x0], $0xffff  }
0x96: {  	s1 =	sadd.s32 $0x30, s0  }
0x97: {  	s2 =	sadd.s32 $0x10, s0;
	[tilespmem:s11+$0x180] =	vst v17;
	s25 =	sor.u32 $0x200, s1  }
0x98: {  	s5 =	sadd.s32 $0x20, s0;
	s9 =	sor.u32 $0x200, s2;
	v12 =	vld.idx.msk [tilespmem:v20+s13+$0x0], $0xffff;
	[tilespmem:s25+$0x10800] =	vst v18  }
0x99: {  	s10 =	sor.u32 $0x200, s5;
	v17 =	vor.u32 $0x280, v1;
	v13 =	vld.idx.msk [tilespmem:v13+s13+$0x0], $0xffff;
	[tilespmem:s9+$0x10800] =	vst v11  }
0x9a: {  	v11 =	vor.u32 $0x300, v2;
	v8 =	vld.idx.msk [tilespmem:v8+s13+$0x0], $0xffff;
	[tilespmem:s10+$0x10800] =	vst v9  }
0x9b: {  	v7 =	vld.idx.msk [tilespmem:v7+s13+$0x0], $0xffff  }
0x9c: {  	[tilespmem:s12+$0x10800] =	vst v14;
	s11 =	sor.u32 $0x200, s0  }
0x9d: {  	s15 =	sor.u32 $0x280, s1;
	[tilespmem:s11+$0x10800] =	vst v12  }
0x9e: {  	v0 =	vor.u32 $0x380, v0;
	s16 =	sor.u32 $0x280, s2;
	v9 =	vld.idx.msk [tilespmem:v17+s13+$0x0], $0xffff;
	[tilespmem:s15+$0x10800] =	vst v13  }
0x9f: {  	s17 =	sor.u32 $0x280, s5;
	v12 =	vor.u32 $0x300, v1;
	v11 =	vld.idx.msk [tilespmem:v11+s13+$0x0], $0xffff;
	[tilespmem:s16+$0x10800] =	vst v8  }
0xa0: {  	v2 =	vor.u32 $0x380, v2;
	v6 =	vld.idx.msk [tilespmem:v6+s13+$0x0], $0xffff;
	[tilespmem:s17+$0x10800] =	vst v7  }
0xa1: {  	[tilespmem:s7+$0x10800] =	vst v15;
	v5 =	vld.idx.msk [tilespmem:v5+s13+$0x0], $0xffff  }
0xa2: {  	v3 =	vld.idx.msk [tilespmem:v3+s13+$0x0], $0xffff;
	s18 =	sor.u32 $0x280, s0;
	[tilespmem:s6+$0x10800] =	vst v16  }
0xa3: {  	v0 =	vld.idx.msk [tilespmem:v0+s13+$0x0], $0xffff;
	s19 =	sor.u32 $0x300, s1;
	[tilespmem:s18+$0x10800] =	vst v9  }
0xa4: {  	s21 =	sor.u32 $0x300, s2;
	v7 =	vld.idx.msk [tilespmem:v12+s13+$0x0], $0xffff;
	[tilespmem:s19+$0x10800] =	vst v11  }
0xa5: {  	s24 =	sor.u32 $0x300, s5;
	v1 =	vor.u32 $0x380, v1;
	v2 =	vld.idx.msk [tilespmem:v2+s13+$0x0], $0xffff;
	[tilespmem:s21+$0x10800] =	vst v6  }
0xa6: {  	v4 =	vld.idx.msk [tilespmem:v4+s13+$0x0], $0xffff;
	[tilespmem:s24+$0x10800] =	vst v5  }
0xa7: {  	[tilespmem:s28+$0x10800] =	vst v3;
	v5 =	vld.idx.msk [tilespmem:v10+s13+$0x0], $0xffff  }
0xa8: {  	[tilespmem:s26+$0x10800] =	vst v0;
	s25 =	sor.u32 $0x300, s0  }
0xa9: {  	s1 =	sor.u32 $0x380, s1;
	[tilespmem:s25+$0x10800] =	vst v7  }
0xaa: {  	s2 =	sor.u32 $0x380, s2;
	v1 =	vld.idx.msk [tilespmem:v1+s13+$0x0], $0xffff;
	[tilespmem:s1+$0x10800] =	vst v2  }
0xab: {  	s26 =	sor.u32 $0x380, s5;
	[tilespmem:s2+$0x10800] =	vst v4  }
0xac: {  	[tilespmem:s26+$0x10800] =	vst v5  }
0xad: {  	s1 =	rddreg [dreg:$0x4]  }
0xae: {  	s0 =	sor.u32 $0x380, s0;
	s2 =	rddreg [dreg:$0x2];
	s24 =	sor.u32 s1, s23  }
0xaf: {  	s3 =	simm.s32 $0x10800;
	[tilespmem:s0+$0x10800] =	vst v1;
	s0 =	sadd.s32 s2, s24  }
0xb0: {  	[hbm4b:s0+s4] =	stream.linear.scatter [tilespmem:s3], [sflag:$0x3], $0x4000, $0x38;
	[tilespmem:$0x18800] =	vst v63  }
0xb1: {  	s25 =	simm.s32 $0x0;
	s0 =	simm.s32 @!p0 $0x4  }
0xb2: {  	s5 =	sand.u32 $0x40, s25;
	_ =	swait.ge @!p0 [sflag:s0], $0x4000  }
0xb3: {  	s6 =	sand.u32 $0x780, s25;
	s7 =	sor.u32 $0x30, s5;
	[sflag:s0] =	ssyncset.done @!p0 $0x0  }
0xb4: {  	s9 =	sor.u32 s7, s6;
	[sflag:s0] =	ssyncadd.s32 @!p0 $0xFFFFC000  }
0xb5: {  	v0 =	vld [tilespmem:s9+$0x0]  }
0xb6: {  	v1 =	vld [tilespmem:s25+$0x0]  }
0xb7: {  	s10 =	sor.u32 $0x10, s5  }
0xb8: {  	s11 =	sor.u32 $0x20, s5;
	s12 =	sor.u32 s10, s6  }
0xb9: {  	s2 =	sor.u32 s11, s6;
	v2 =	vld [tilespmem:s12+$0x0]  }
0xba: {  	v3 =	vld [tilespmem:s2+$0x0];
	v4 =	vshll.u32 v0, $0x3  }
0xbb: {  	v5 =	vshll.u32 v1, $0x3;
	v0 =	vand.u32 $0x7F, v0;
	v4 =	vand.u32 $0xFFFFFC00, v4  }
0xbc: {  	v6 =	vand.u32 $0x7F, v1;
	v5 =	vand.u32 $0xFFFFFC00, v5;
	v1 =	vor.u32 v0, v4  }
0xbd: {  	v0 =	vor.u32 v6, v5;
	v4 =	vadd.s32 $0x4000, v1  }
0xbe: {  	v6 =	vshll.u32 v2, $0x3;
	v5 =	vadd.s32 $0x4000, v0  }
0xbf: {  	v7 =	vshll.u32 v3, $0x3;
	v2 =	vand.u32 $0x7F, v2;
	v6 =	vand.u32 $0xFFFFFC00, v6  }
0xc0: {  	v3 =	vand.u32 $0x7F, v3;
	v7 =	vand.u32 $0xFFFFFC00, v7;
	v9 =	vor.u32 v2, v6  }
0xc1: {  	v3 =	vor.u32 v3, v7;
	v2 =	vadd.s32 $0x4000, v9  }
0xc2: {  	v6 =	vadd.s32 $0x4000, v3;
	v4 =	vld.idx.msk [tilespmem:v4+s13+$0x0], $0xffff  }
0xc3: {  	v7 =	vadd.s32 $0x4080, v1;
	v5 =	vld.idx.msk [tilespmem:v5+s13+$0x0], $0xffff  }
0xc4: {  	s15 =	sand.u32 $0x3C00, s25;
	v8 =	vadd.s32 $0x4080, v0  }
0xc5: {  	s2 =	sadd.s32 $0x14800, s15  }
0xc6: {  	s3 =	sor.u32 s7, s2;
	v2 =	vld.idx.msk [tilespmem:v2+s13+$0x0], $0xffff  }
0xc7: {  	s1 =	sor.u32 s5, s2;
	v10 =	vadd.s32 $0x4080, v9;
	v6 =	vld.idx.msk [tilespmem:v6+s13+$0x0], $0xffff;
	[tilespmem:s3+$0x0] =	vst v4  }
0xc8: {  	v4 =	vadd.s32 $0x4080, v3;
	[tilespmem:s1+$0x0] =	vst v5;
	v5 =	vld.idx.msk [tilespmem:v7+s13+$0x0], $0xffff  }
0xc9: {  	v7 =	vld.idx.msk [tilespmem:v8+s13+$0x0], $0xffff;
	v8 =	vadd.s32 $0x4100, v1  }
0xca: {  	s0 =	sor.u32 s10, s2  }
0xcb: {  	s2 =	sor.u32 s11, s2;
	v11 =	vadd.s32 $0x4100, v0;
	[tilespmem:s0+$0x0] =	vst v2  }
0xcc: {  	[tilespmem:s2+$0x0] =	vst v6;
	v2 =	vld.idx.msk [tilespmem:v10+s13+$0x0], $0xffff  }
0xcd: {  	s29 =	simm.s32 $0x40;
	v6 =	vadd.s32 $0x4100, v9;
	v4 =	vld.idx.msk [tilespmem:v4+s13+$0x0], $0xffff;
	[tilespmem:s3+$0x80] =	vst v5  }
0xce: {  	s30 =	sand.u32 $0x40, s29;
	v5 =	vadd.s32 $0x4100, v3;
	[tilespmem:s1+$0x80] =	vst v7;
	v7 =	vld.idx.msk [tilespmem:v8+s13+$0x0], $0xffff  }
0xcf: {  	s16 =	sand.u32 $0x780, s29;
	v12 =	vld [tilespmem:s29+$0x0];
	s7 =	sor.u32 $0x30, s30;
	v10 =	vadd.s32 $0x4180, v1  }
0xd0: {  	s17 =	sor.u32 s7, s16;
	v8 =	vld.idx.msk [tilespmem:v11+s13+$0x0], $0xffff  }
0xd1: {  	v16 =	vld [tilespmem:s17+$0x0];
	v11 =	vadd.s32 $0x4180, v0;
	[tilespmem:s0+$0x80] =	vst v2  }
0xd2: {  	v2 =	vld.idx.msk [tilespmem:v6+s13+$0x0], $0xffff;
	[tilespmem:s2+$0x80] =	vst v4  }
0xd3: {  	s6 =	sor.u32 $0x10, s30;
	v13 =	vadd.s32 $0x4180, v9;
	v5 =	vld.idx.msk [tilespmem:v5+s13+$0x0], $0xffff;
	[tilespmem:s3+$0x100] =	vst v7  }
0xd4: {  	s10 =	sor.u32 s6, s16;
	v15 =	vadd.s32 $0x4180, v3;
	v17 =	vadd.s32 $0x4200, v1;
	v19 =	vadd.s32 $0x4200, v0;
	v10 =	vld.idx.msk [tilespmem:v10+s13+$0x0], $0xffff  }
0xd5: {  	s11 =	sor.u32 $0x20, s30;
	v18 =	vld [tilespmem:s10+$0x0];
	v14 =	vadd.s32 $0x4200, v9;
	v6 =	vadd.s32 $0x4300, v9;
	v4 =	vshll.u32 v12, $0x3;
	[tilespmem:s1+$0x100] =	vst v8  }
0xd6: {  	s5 =	sor.u32 s11, s16;
	v4 =	vand.u32 $0xFFFFFC00, v4;
	v8 =	vadd.s32 $0x4280, v9;
	v7 =	vand.u32 $0x7F, v12;
	v11 =	vld.idx.msk [tilespmem:v11+s13+$0x0], $0xffff  }
0xd7: {  	v12 =	vld [tilespmem:s5+$0x0];
	[tilespmem:s0+$0x100] =	vst v2;
	v2 =	vor.u32 v7, v4;
	v4 =	vadd.s32 $0x4380, v9;
	v9 =	vshll.u32 v16, $0x3  }
0xd8: {  	v16 =	vand.u32 $0x7F, v16;
	v13 =	vld.idx.msk [tilespmem:v13+s13+$0x0], $0xffff;
	v21 =	vadd.s32 $0x4000, v2;
	v9 =	vand.u32 $0xFFFFFC00, v9;
	[tilespmem:s2+$0x100] =	vst v5  }
0xd9: {  	p0 =	por $0x0, $0x0;
	v20 =	vadd.s32 $0x4200, v3;
	v9 =	vor.u32 v16, v9;
	[tilespmem:s3+$0x180] =	vst v10;
	s3 =	simm.s32 $0x1  }
0xda: {  	v25 =	vadd.s32 $0x4280, v1;
	v31 =	vadd.s32 $0x4280, v0;
	v15 =	vld.idx.msk [tilespmem:v15+s13+$0x0], $0xffff;
	v29 =	vadd.s32 $0x4000, v9;
	s3 =	simm.s32 @!p0 $0x0  }
0xdb: {  	v7 =	vadd.s32 $0x4280, v3;
	v5 =	vadd.s32 $0x4300, v3;
	v3 =	vadd.s32 $0x4380, v3;
	[tilespmem:s1+$0x180] =	vst v11;
	v10 =	vld.idx.msk [tilespmem:v17+s13+$0x0], $0xffff;
	s18 =	sshll.u32 s3, $0x6  }
0xdc: {  	v11 =	vshll.u32 v12, $0x3;
	v12 =	vand.u32 $0x7F, v12;
	v17 =	vshll.u32 v18, $0x3;
	v27 =	vld.idx.msk [tilespmem:v19+s13+$0x0], $0xffff;
	s16 =	sadd.s32 $0x0, s18  }
0xdd: {  	s1 =	simm.s32 $0x4;
	v11 =	vand.u32 $0xFFFFFC00, v11;
	v18 =	vand.u32 $0x7F, v18;
	v16 =	vand.u32 $0xFFFFFC00, v17;
	v17 =	vld.idx.msk [tilespmem:v21+s13+$0x0], $0xffff;
	[tilespmem:s0+$0x180] =	vst v13;
	s18 =	sadd.s32 $0x10, s16;
	s0 =	sadd.s32 $0x30, s16  }
0xde: {  	v19 =	vadd.s32 $0x4080, v2;
	v12 =	vor.u32 v12, v11;
	v13 =	vor.u32 v18, v16;
	v23 =	vld.idx.msk [tilespmem:v14+s13+$0x0], $0xffff;
	s21 =	sadd.s32 $0x20, s16;
	s26 =	sor.u32 $0x200, s16;
	s17 =	sor.u32 $0x280, s16  }
0xdf: {  	v26 =	vadd.s32 $0x4000, v12;
	v22 =	vadd.s32 $0x4080, v12;
	[tilespmem:s2+$0x180] =	vst v15;
	v28 =	vadd.s32 $0x4000, v13;
	v30 =	vld.idx.msk [tilespmem:v29+s13+$0x0], $0xffff;
	s2 =	sor.u32 $0x300, s16;
	s28 =	sor.u32 $0x380, s16;
	s19 =	sor.u32 $0x200, s0  }
0xe0: {  	v16 =	vadd.s32 $0x4100, v12;
	v14 =	vadd.s32 $0x4180, v12;
	v11 =	vadd.s32 $0x4200, v12;
	s15 =	sor.u32 $0x200, s18;
	s9 =	sor.u32 $0x200, s21;
	s5 =	sor.u32 $0x280, s18;
	v24 =	vld.idx.msk [tilespmem:v20+s13+$0x0], $0xffff;
	[tilespmem:s19+$0x14800] =	vst v10  }
0xe1: {  	v21 =	vadd.s32 $0x4080, v13;
	v18 =	vadd.s32 $0x4100, v13;
	v15 =	vadd.s32 $0x4180, v13;
	s3 =	sor.u32 $0x280, s21;
	s10 =	sor.u32 $0x300, s18;
	s12 =	sor.u32 $0x300, s21;
	[tilespmem:s26+$0x14800] =	vst v27;
	v25 =	vld.idx.msk [tilespmem:v25+s13+$0x0], $0xffff  }
0xe2: {  	v29 =	vadd.s32 $0x4300, v1;
	s31 =	sor.u32 $0x380, s18;
	v20 =	vadd.s32 $0x4280, v13;
	v10 =	vadd.s32 $0x4200, v13;
	s26 =	sor.u32 $0x380, s21;
	s21 =	simm.s32 $0x80;
	v27 =	vld.idx.msk [tilespmem:v31+s13+$0x0], $0xffff  }
.LBB2_5:
0xe3: {  	v31 =	vld [tilespmem:s21+$0x0];
	v32 =	vadd.s32 $0x4300, v13;
	v33 =	vadd.s32 $0x4280, v12;
	v34 =	vadd.s32 $0x4080, v9;
	s25 =	sadd.s32 $0x200, s25  }
0xe4: {  	v13 =	vadd.s32 $0x4380, v13;
	v35 =	vadd.s32 $0x4300, v12;
	v12 =	vadd.s32 $0x4380, v12;
	s16 =	sand.u32 $0x3C00, s25;
	v28 =	vld.idx.msk [tilespmem:v28+s13+$0x0], $0xffff;
	[tilespmem:s15+$0x14800] =	vst v23  }
0xe5: {  	s19 =	sadd.s32 $0x14800, s16;
	v23 =	vld.idx.msk [tilespmem:v26+s13+$0x0], $0xffff;
	[tilespmem:s9+$0x14800] =	vst v24;
	s9 =	sor.u32 $0x280, s0  }
0xe6: {  	s15 =	sor.u32 s30, s19;
	s16 =	sor.u32 s6, s19;
	s18 =	sor.u32 s7, s19;
	v24 =	vld.idx.msk [tilespmem:v8+s13+$0x0], $0xffff;
	[tilespmem:s9+$0x14800] =	vst v25;
	v8 =	vmov v20  }
0xe7: {  	s9 =	sor.u32 s11, s19;
	[tilespmem:s18+$0x0] =	vst v30;
	v20 =	vld.idx.msk [tilespmem:v29+s13+$0x0], $0xffff  }
0xe8: {  	[tilespmem:s15+$0x0] =	vst v17;
	v17 =	vld.idx.msk [tilespmem:v34+s13+$0x0], $0xffff  }
0xe9: {  	v25 =	vadd.s32 $0x4380, v1;
	v1 =	vmov v9;
	v19 =	vld.idx.msk [tilespmem:v19+s13+$0x0], $0xffff;
	[tilespmem:s17+$0x14800] =	vst v27  }
0xea: {  	v9 =	vadd.s32 $0x4100, v1;
	[tilespmem:s16+$0x0] =	vst v28;
	v26 =	vld.idx.msk [tilespmem:v7+s13+$0x0], $0xffff;
	v7 =	vmov v33  }
0xeb: {  	v27 =	vadd.s32 $0x4100, v2;
	v21 =	vld.idx.msk [tilespmem:v21+s13+$0x0], $0xffff;
	[tilespmem:s9+$0x0] =	vst v23  }
0xec: {  	v22 =	vld.idx.msk [tilespmem:v22+s13+$0x0], $0xffff;
	[tilespmem:s5+$0x14800] =	vst v24;
	s5 =	sor.u32 $0x300, s0  }
0xed: {  	v23 =	vld.idx.msk [tilespmem:v6+s13+$0x0], $0xffff;
	[tilespmem:s5+$0x14800] =	vst v20;
	v6 =	vmov v32  }
0xee: {  	[tilespmem:s18+$0x80] =	vst v17;
	v17 =	vld.idx.msk [tilespmem:v25+s13+$0x0], $0xffff  }
0xef: {  	[tilespmem:s15+$0x80] =	vst v19;
	v9 =	vld.idx.msk [tilespmem:v9+s13+$0x0], $0xffff;
	v19 =	vadd.s32 $0x4300, v0  }
0xf0: {  	v20 =	vld.idx.msk [tilespmem:v27+s13+$0x0], $0xffff;
	[tilespmem:s3+$0x14800] =	vst v26  }
0xf1: {  	[tilespmem:s16+$0x80] =	vst v21;
	v21 =	vadd.s32 $0x4180, v1;
	v24 =	vld.idx.msk [tilespmem:v5+s13+$0x0], $0xffff;
	v5 =	vmov v35  }
0xf2: {  	v25 =	vadd.s32 $0x4180, v2;
	v18 =	vld.idx.msk [tilespmem:v18+s13+$0x0], $0xffff;
	[tilespmem:s9+$0x80] =	vst v22  }
0xf3: {  	s0 =	sor.u32 $0x380, s0;
	v16 =	vld.idx.msk [tilespmem:v16+s13+$0x0], $0xffff;
	[tilespmem:s10+$0x14800] =	vst v23  }
0xf4: {  	s29 =	sadd.s32 $0x40, s29;
	v19 =	vld.idx.msk [tilespmem:v19+s13+$0x0], $0xffff;
	[tilespmem:s0+$0x14800] =	vst v17  }
0xf5: {  	s1 =	sadd.s32 $0x4, s1;
	s30 =	sand.u32 $0x40, s29;
	[tilespmem:s18+$0x100] =	vst v9;
	v9 =	vld.idx.msk [tilespmem:v4+s13+$0x0], $0xffff;
	v4 =	vmov v13  }
0xf6: {  	p1 =	slt.u32 s1, $0x7C;
	s7 =	sor.u32 $0x30, s30;
	s0 =	sand.u32 $0x780, s29;
	[tilespmem:s15+$0x100] =	vst v20;
	v13 =	vld.idx.msk [tilespmem:v21+s13+$0x0], $0xffff  }
0xf7: {  	s6 =	sor.u32 $0x10, s30;
	s11 =	sor.u32 $0x20, s30;
	s3 =	sor.u32 s7, s0;
	v17 =	vld.idx.msk [tilespmem:v25+s13+$0x0], $0xffff;
	[tilespmem:s12+$0x14800] =	vst v24  }
0xf8: {  	s5 =	sor.u32 s6, s0;
	s0 =	sor.u32 s11, s0;
	v20 =	vld [tilespmem:s3+$0x0];
	[tilespmem:s16+$0x100] =	vst v18;
	v18 =	vadd.s32 $0x4200, v1  }
0xf9: {  	v23 =	vadd.s32 $0x4200, v2;
	v21 =	vshll.u32 v31, $0x3;
	v22 =	vld [tilespmem:s5+$0x0];
	[tilespmem:s9+$0x100] =	vst v16  }
0xfa: {  	v21 =	vand.u32 $0xFFFFFC00, v21;
	v16 =	vand.u32 $0x7F, v31;
	v24 =	vld [tilespmem:s0+$0x0];
	[tilespmem:s2+$0x14800] =	vst v19  }
0xfb: {  	v19 =	vadd.s32 $0x4380, v0;
	v0 =	vmov v2;
	v2 =	vor.u32 v16, v21;
	v15 =	vld.idx.msk [tilespmem:v15+s13+$0x0], $0xffff;
	[tilespmem:s31+$0x14800] =	vst v9  }
0xfc: {  	p0 =	por !p0, !p0;
	s0 =	simm.s32 $0x1;
	v16 =	vadd.s32 $0x4000, v2;
	v14 =	vld.idx.msk [tilespmem:v14+s13+$0x0], $0xffff;
	[tilespmem:s18+$0x180] =	vst v13  }
0xfd: {  	s0 =	simm.s32 @!p0 $0x0;
	v9 =	vshll.u32 v20, $0x3;
	[tilespmem:s15+$0x180] =	vst v17;
	v18 =	vld.idx.msk [tilespmem:v18+s13+$0x0], $0xffff  }
0xfe: {  	s0 =	sshll.u32 s0, $0x6;
	v17 =	vand.u32 $0x7F, v20;
	v13 =	vshll.u32 v22, $0x3;
	v9 =	vand.u32 $0xFFFFFC00, v9;
	v20 =	vld.idx.msk [tilespmem:v23+s13+$0x0], $0xffff  }
0xff: {  	v25 =	vadd.s32 $0x4280, v1;
	s18 =	sadd.s32 s0, s25;
	v21 =	vshll.u32 v24, $0x3;
	v9 =	vor.u32 v17, v9;
	v27 =	vld.idx.msk [tilespmem:v3+s13+$0x0], $0xffff;
	v3 =	vmovc v12  }
0x100: {  	s0 =	sadd.s32 $0x30, s18;
	v12 =	vand.u32 $0xFFFFFC00, v13;
	v21 =	vand.u32 $0xFFFFFC00, v21;
	v29 =	vadd.s32 $0x4000, v9;
	v31 =	vld.idx.msk [tilespmem:v19+s13+$0x0], $0xffff  }
0x101: {  	v32 =	vadd.s32 $0x4280, v0;
	s19 =	sadd.s32 $0x20, s18;
	v13 =	vand.u32 $0x7F, v22;
	s2 =	sor.u32 $0x200, s0;
	v17 =	vld.idx.msk [tilespmem:v16+s13+$0x0], $0xffff;
	v16 =	vand.u32 $0x7F, v24;
	[tilespmem:s16+$0x180] =	vst v15;
	s16 =	sadd.s32 $0x10, s18  }
.Ltmp3:
0x102: {  	v19 =	vadd.s32 $0x4080, v2;
	v13 =	vor.u32 v13, v12;
	v12 =	vor.u32 v16, v21;
	v23 =	vld.idx.msk [tilespmem:v10+s13+$0x0], $0xffff;
	s15 =	sor.u32 $0x200, s16;
	[tilespmem:s9+$0x180] =	vst v14;
	s9 =	sor.u32 $0x200, s19;
	(pc) =	sbr.rel @p1 .LBB2_5-.Ltmp3, $4  }
0x103: {  	s10 =	sor.u32 $0x200, s18;
	s3 =	sor.u32 $0x280, s19;
	v28 =	vadd.s32 $0x4000, v13;
	v21 =	vadd.s32 $0x4080, v13;
	s5 =	sor.u32 $0x280, s16;
	v26 =	vadd.s32 $0x4000, v12;
	v24 =	vld.idx.msk [tilespmem:v11+s13+$0x0], $0xffff;
	[tilespmem:s2+$0x14800] =	vst v18  }
0x104: {  	s17 =	sor.u32 $0x280, s18;
	s12 =	sor.u32 $0x300, s19;
	v18 =	vadd.s32 $0x4100, v13;
	v22 =	vadd.s32 $0x4080, v12;
	v16 =	vadd.s32 $0x4100, v12;
	[tilespmem:s10+$0x14800] =	vst v20;
	s10 =	sor.u32 $0x300, s16;
	v25 =	vld.idx.msk [tilespmem:v25+s13+$0x0], $0xffff  }
0x105: {  	v15 =	vadd.s32 $0x4180, v13;
	v10 =	vadd.s32 $0x4200, v13;
	s31 =	sor.u32 $0x380, s16;
	v14 =	vadd.s32 $0x4180, v12;
	s2 =	sor.u32 $0x300, s18;
	v30 =	vld.idx.msk [tilespmem:v29+s13+$0x0], $0xffff;
	[tilespmem:s26+$0x14800] =	vst v27;
	s26 =	sor.u32 $0x380, s19  }
0x106: {  	s21 =	sadd.s32 $0x40, s21;
	v11 =	vadd.s32 $0x4200, v12;
	v20 =	vadd.s32 $0x4280, v13;
	v29 =	vadd.s32 $0x4300, v1;
	v27 =	vld.idx.msk [tilespmem:v32+s13+$0x0], $0xffff;
	[tilespmem:s28+$0x14800] =	vst v31;
	s28 =	sor.u32 $0x380, s18  }
0x107: {  	_ =	sdelay $0x2  }
0x108: {  	v31 =	vadd.s32 $0x4080, v9;
	s1 =	sadd.s32 $0x200, s25  }
0x109: {  	v28 =	vld.idx.msk [tilespmem:v28+s13+$0x0], $0xffff;
	s16 =	sand.u32 $0x3C00, s1  }
0x10a: {  	v26 =	vld.idx.msk [tilespmem:v26+s13+$0x0], $0xffff;
	s16 =	sadd.s32 $0x14800, s16  }
0x10b: {  	[tilespmem:s15+$0x14800] =	vst v23;
	s7 =	sor.u32 s7, s16  }
0x10c: {  	s6 =	sor.u32 s6, s16;
	s11 =	sor.u32 s11, s16;
	s16 =	sor.u32 s30, s16;
	[tilespmem:s7+$0x0] =	vst v30  }
0x10d: {  	[tilespmem:s16+$0x0] =	vst v17;
	v30 =	vld.idx.msk [tilespmem:v31+s13+$0x0], $0xffff  }
0x10e: {  	[tilespmem:s6+$0x0] =	vst v28;
	v19 =	vld.idx.msk [tilespmem:v19+s13+$0x0], $0xffff  }
0x10f: {  	v61 =	vadd.s32 $0x4100, v9;
	[tilespmem:s11+$0x0] =	vst v26;
	v21 =	vld.idx.msk [tilespmem:v21+s13+$0x0], $0xffff  }
0x110: {  	[tilespmem:s9+$0x14800] =	vst v24;
	s30 =	sor.u32 $0x280, s0;
	v17 =	vld.idx.msk [tilespmem:v22+s13+$0x0], $0xffff;
	v22 =	vadd.s32 $0x4100, v2  }
0x111: {  	[tilespmem:s30+$0x14800] =	vst v25  }
0x112: {  	v8 =	vld.idx.msk [tilespmem:v8+s13+$0x0], $0xffff;
	[tilespmem:s7+$0x80] =	vst v30  }
0x113: {  	v7 =	vld.idx.msk [tilespmem:v7+s13+$0x0], $0xffff;
	[tilespmem:s16+$0x80] =	vst v19  }
0x114: {  	v23 =	vld.idx.msk [tilespmem:v61+s13+$0x0], $0xffff;
	[tilespmem:s6+$0x80] =	vst v21  }
0x115: {  	v21 =	vadd.s32 $0x4180, v9;
	[tilespmem:s11+$0x80] =	vst v17;
	v17 =	vld.idx.msk [tilespmem:v22+s13+$0x0], $0xffff  }
0x116: {  	[tilespmem:s17+$0x14800] =	vst v27;
	v19 =	vadd.s32 $0x4180, v2;
	v18 =	vld.idx.msk [tilespmem:v18+s13+$0x0], $0xffff  }
0x117: {  	[tilespmem:s5+$0x14800] =	vst v8;
	v16 =	vld.idx.msk [tilespmem:v16+s13+$0x0], $0xffff  }
0x118: {  	v6 =	vld.idx.msk [tilespmem:v6+s13+$0x0], $0xffff;
	[tilespmem:s3+$0x14800] =	vst v7  }
0x119: {  	v22 =	vld.idx.msk [tilespmem:v29+s13+$0x0], $0xffff;
	[tilespmem:s7+$0x100] =	vst v23  }
0x11a: {  	v1 =	vadd.s32 $0x4380, v1;
	[tilespmem:s16+$0x100] =	vst v17;
	v21 =	vld.idx.msk [tilespmem:v21+s13+$0x0], $0xffff  }
0x11b: {  	[tilespmem:s6+$0x100] =	vst v18;
	v18 =	vadd.s32 $0x4200, v9;
	v8 =	vld.idx.msk [tilespmem:v19+s13+$0x0], $0xffff  }
0x11c: {  	[tilespmem:s11+$0x100] =	vst v16;
	v16 =	vadd.s32 $0x4200, v2;
	v15 =	vld.idx.msk [tilespmem:v15+s13+$0x0], $0xffff  }
0x11d: {  	s9 =	sor.u32 $0x300, s0;
	[tilespmem:s10+$0x14800] =	vst v6;
	v14 =	vld.idx.msk [tilespmem:v14+s13+$0x0], $0xffff  }
0x11e: {  	v5 =	vld.idx.msk [tilespmem:v5+s13+$0x0], $0xffff;
	[tilespmem:s9+$0x14800] =	vst v22  }
0x11f: {  	p0 =	por !p0, !p0;
	s5 =	simm.s32 $0x1;
	v1 =	vld.idx.msk [tilespmem:v1+s13+$0x0], $0xffff;
	[tilespmem:s7+$0x180] =	vst v21  }
0x120: {  	s5 =	simm.s32 @!p0 $0x0;
	[tilespmem:s16+$0x180] =	vst v8;
	v17 =	vld.idx.msk [tilespmem:v18+s13+$0x0], $0xffff  }
0x121: {  	s5 =	sshll.u32 s5, $0x6;
	[tilespmem:s6+$0x180] =	vst v15;
	v15 =	vadd.s32 $0x4280, v9;
	v7 =	vld.idx.msk [tilespmem:v16+s13+$0x0], $0xffff  }
0x122: {  	s1 =	sadd.s32 s5, s1;
	v6 =	vadd.s32 $0x4280, v2;
	[tilespmem:s11+$0x180] =	vst v14;
	v10 =	vld.idx.msk [tilespmem:v10+s13+$0x0], $0xffff  }
0x123: {  	s19 =	sor.u32 $0x380, s0;
	s3 =	sadd.s32 $0x30, s1;
	[tilespmem:s12+$0x14800] =	vst v5;
	v8 =	vld.idx.msk [tilespmem:v11+s13+$0x0], $0xffff  }
0x124: {  	s15 =	sor.u32 $0x200, s3;
	[tilespmem:s19+$0x14800] =	vst v1;
	v11 =	vadd.s32 $0x4280, v12  }
0x125: {  	s5 =	sadd.s32 $0x10, s1;
	s18 =	sor.u32 $0x200, s1;
	[tilespmem:s15+$0x14800] =	vst v17  }
0x126: {  	s7 =	sadd.s32 $0x20, s1;
	s16 =	sor.u32 $0x200, s5;
	v14 =	vadd.s32 $0x4300, v0;
	[tilespmem:s18+$0x14800] =	vst v7;
	v15 =	vld.idx.msk [tilespmem:v15+s13+$0x0], $0xffff  }
0x127: {  	s17 =	sor.u32 $0x200, s7;
	[tilespmem:s16+$0x14800] =	vst v10;
	v10 =	vadd.s32 $0x4300, v9;
	v1 =	vld.idx.msk [tilespmem:v6+s13+$0x0], $0xffff  }
0x128: {  	v5 =	vadd.s32 $0x4300, v2;
	[tilespmem:s17+$0x14800] =	vst v8;
	v8 =	vld.idx.msk [tilespmem:v20+s13+$0x0], $0xffff  }
0x129: {  	v16 =	vadd.s32 $0x4300, v13;
	v7 =	vld.idx.msk [tilespmem:v11+s13+$0x0], $0xffff  }
0x12a: {  	s21 =	sor.u32 $0x280, s3;
	v4 =	vld.idx.msk [tilespmem:v4+s13+$0x0], $0xffff;
	v11 =	vadd.s32 $0x4300, v12  }
0x12b: {  	s9 =	sor.u32 $0x280, s1;
	v6 =	vld.idx.msk [tilespmem:v14+s13+$0x0], $0xffff;
	[tilespmem:s21+$0x14800] =	vst v15  }
0x12c: {  	s25 =	sor.u32 $0x280, s5;
	v0 =	vadd.s32 $0x4380, v0;
	[tilespmem:s9+$0x14800] =	vst v1;
	v10 =	vld.idx.msk [tilespmem:v10+s13+$0x0], $0xffff  }
0x12d: {  	s30 =	sor.u32 $0x280, s7;
	[tilespmem:s25+$0x14800] =	vst v8;
	v8 =	vadd.s32 $0x4380, v9;
	v5 =	vld.idx.msk [tilespmem:v5+s13+$0x0], $0xffff  }
0x12e: {  	v2 =	vadd.s32 $0x4380, v2;
	[tilespmem:s30+$0x14800] =	vst v7;
	v9 =	vld.idx.msk [tilespmem:v16+s13+$0x0], $0xffff  }
0x12f: {  	[tilespmem:s31+$0x14800] =	vst v4;
	v7 =	vadd.s32 $0x4380, v13;
	v1 =	vld.idx.msk [tilespmem:v11+s13+$0x0], $0xffff  }
0x130: {  	s10 =	sor.u32 $0x300, s3;
	v3 =	vld.idx.msk [tilespmem:v3+s13+$0x0], $0xffff;
	[tilespmem:s2+$0x14800] =	vst v6;
	v11 =	vadd.s32 $0x4380, v12  }
0x131: {  	s15 =	sor.u32 $0x300, s1;
	v0 =	vld.idx.msk [tilespmem:v0+s13+$0x0], $0xffff;
	[tilespmem:s10+$0x14800] =	vst v10  }
0x132: {  	s11 =	sor.u32 $0x300, s5;
	[tilespmem:s15+$0x14800] =	vst v5;
	v4 =	vld.idx.msk [tilespmem:v8+s13+$0x0], $0xffff  }
0x133: {  	s12 =	sor.u32 $0x300, s7;
	[tilespmem:s11+$0x14800] =	vst v9;
	v2 =	vld.idx.msk [tilespmem:v2+s13+$0x0], $0xffff  }
0x134: {  	[tilespmem:s12+$0x14800] =	vst v1;
	v6 =	vld.idx.msk [tilespmem:v7+s13+$0x0], $0xffff  }
0x135: {  	[tilespmem:s26+$0x14800] =	vst v3;
	v1 =	vld.idx.msk [tilespmem:v11+s13+$0x0], $0xffff  }
0x136: {  	s16 =	sor.u32 $0x380, s3;
	[tilespmem:s28+$0x14800] =	vst v0  }
0x137: {  	s1 =	sor.u32 $0x380, s1;
	[tilespmem:s16+$0x14800] =	vst v4  }
0x138: {  	s17 =	sor.u32 $0x380, s5;
	[tilespmem:s1+$0x14800] =	vst v2  }
0x139: {  	s18 =	sor.u32 $0x380, s7;
	[tilespmem:s17+$0x14800] =	vst v6  }
0x13a: {  	p0 =	seq.s32 s22, $0x1F;
	s19 =	sadd.s32 s24, s8;
	s21 =	simm.s32 $0x14800;
	[tilespmem:s18+$0x14800] =	vst v1  }
0x13b: {  	[hbm4b:s19+s4] =	stream.linear.scatter [tilespmem:s21], [sflag:$0x4], $0x4000, $0x38;
	[tilespmem:$0x18800] =	vst v63  }
0x13c: {  	s2 =	simm.s32 @!p0 $0x800;
	s0 =	rddreg [dreg:$0x7]  }
0x13d: {  	s25 =	simm.s32 $0x2;
	s1 =	simm.s32 @!p0 $0x0;
	s0 =	sadd.s32 @!p0 s23, s0  }
0x13e: {  	[tilespmem:s2], [sflag:$0x1] =	stream.linear.gather @!p0 [hbm4b:s0+s1], $0x8000, $0x38;
	[tilespmem:$0x18800] =	vst v63  }
0x13f: {  	_ =	swait.ge [sflag:s25], $0x8000  }
0x140: {  	[sflag:s25] =	ssyncset.done $0x0  }
0x141: {  	s26 =	simm.s32 $0x0;
	s30 =	simm.s32 $0x3;
	[sflag:s25] =	ssyncadd.s32 $0xFFFF8000  }
0x142: {  	s31 =	sand.u32 $0x40, s26;
	_ =	swait.ge [sflag:s30], $0x4000  }
0x143: {  	s6 =	sor.u32 $0x30, s31;
	s3 =	sand.u32 $0x780, s26;
	[sflag:s30] =	ssyncset.done $0x0  }
0x144: {  	s9 =	sor.u32 s6, s3;
	[sflag:s30] =	ssyncadd.s32 $0xFFFFC000  }
0x145: {  	v0 =	vld [tilespmem:s9+$0x0]  }
0x146: {  	s10 =	sor.u32 $0x10, s31;
	v1 =	vld [tilespmem:s26+$0x0]  }
0x147: {  	s11 =	sor.u32 $0x20, s31;
	s12 =	sor.u32 s10, s3  }
0x148: {  	s2 =	sor.u32 s11, s3;
	v2 =	vld [tilespmem:s12+$0x0]  }
0x149: {  	v3 =	vld [tilespmem:s2+$0x0]  }
0x14a: {  	v4 =	vshll.u32 v0, $0x3  }
0x14b: {  	v5 =	vshll.u32 v1, $0x3;
	v0 =	vand.u32 $0x7F, v0;
	v4 =	vand.u32 $0xFFFFFC00, v4  }
0x14c: {  	v1 =	vand.u32 $0x7F, v1;
	v6 =	vand.u32 $0xFFFFFC00, v5;
	v5 =	vor.u32 v0, v4  }
0x14d: {  	v0 =	vor.u32 v1, v6;
	v1 =	vshll.u32 v2, $0x3  }
0x14e: {  	v4 =	vshll.u32 v3, $0x3;
	v2 =	vand.u32 $0x7F, v2;
	v1 =	vand.u32 $0xFFFFFC00, v1  }
0x14f: {  	v6 =	vand.u32 $0xFFFFFC00, v4;
	v4 =	vor.u32 v2, v1;
	v1 =	vand.u32 $0x7F, v3  }
0x150: {  	v3 =	vor.u32 v1, v6  }
0x151: {  	v1 =	vld.idx.msk [tilespmem:v5+s14+$0x0], $0xffff  }
0x152: {  	v6 =	vor.u32 $0x80, v5;
	v2 =	vld.idx.msk [tilespmem:v0+s14+$0x0], $0xffff  }
0x153: {  	s0 =	sand.u32 $0x3C00, s26;
	v7 =	vor.u32 $0x80, v0  }
0x154: {  	s0 =	sadd.s32 $0x10800, s0;
	v8 =	vld.idx.msk [tilespmem:v4+s14+$0x0], $0xffff  }
0x155: {  	s15 =	sor.u32 s6, s0;
	v9 =	vor.u32 $0x80, v4;
	v10 =	vld.idx.msk [tilespmem:v3+s14+$0x0], $0xffff  }
0x156: {  	s16 =	sor.u32 s31, s0;
	v11 =	vor.u32 $0x80, v3;
	[tilespmem:s15+$0x0] =	vst v1  }
0x157: {  	[tilespmem:s16+$0x0] =	vst v2;
	v1 =	vld.idx.msk [tilespmem:v6+s14+$0x0], $0xffff  }
0x158: {  	s5 =	sor.u32 s10, s0;
	v2 =	vld.idx.msk [tilespmem:v7+s14+$0x0], $0xffff;
	v6 =	vor.u32 $0x100, v5  }
0x159: {  	s6 =	sor.u32 s11, s0;
	v7 =	vor.u32 $0x100, v0;
	[tilespmem:s5+$0x0] =	vst v8  }
0x15a: {  	v8 =	vld.idx.msk [tilespmem:v9+s14+$0x0], $0xffff;
	[tilespmem:s6+$0x0] =	vst v10  }
0x15b: {  	v9 =	vor.u32 $0x100, v4;
	v10 =	vld.idx.msk [tilespmem:v11+s14+$0x0], $0xffff  }
0x15c: {  	v11 =	vor.u32 $0x100, v3;
	[tilespmem:s15+$0x80] =	vst v1  }
0x15d: {  	[tilespmem:s16+$0x80] =	vst v2;
	v1 =	vld.idx.msk [tilespmem:v6+s14+$0x0], $0xffff  }
0x15e: {  	v2 =	vld.idx.msk [tilespmem:v7+s14+$0x0], $0xffff;
	v6 =	vor.u32 $0x180, v5  }
0x15f: {  	v7 =	vor.u32 $0x180, v0;
	[tilespmem:s5+$0x80] =	vst v8  }
0x160: {  	v8 =	vld.idx.msk [tilespmem:v9+s14+$0x0], $0xffff;
	[tilespmem:s6+$0x80] =	vst v10  }
0x161: {  	s25 =	simm.s32 $0x40;
	v9 =	vor.u32 $0x180, v4;
	v10 =	vld.idx.msk [tilespmem:v11+s14+$0x0], $0xffff  }
0x162: {  	s21 =	sand.u32 $0x40, s25;
	v11 =	vld [tilespmem:s25+$0x0];
	[tilespmem:s15+$0x100] =	vst v1  }
0x163: {  	s31 =	sand.u32 $0x780, s25;
	s1 =	sor.u32 $0x30, s21;
	[tilespmem:s16+$0x100] =	vst v2;
	v1 =	vld.idx.msk [tilespmem:v6+s14+$0x0], $0xffff  }
0x164: {  	s17 =	sor.u32 s1, s31;
	v2 =	vor.u32 $0x180, v3;
	v6 =	vld.idx.msk [tilespmem:v7+s14+$0x0], $0xffff  }
0x165: {  	s18 =	sor.u32 $0x10, s21;
	v7 =	vor.u32 $0x200, v5;
	[tilespmem:s5+$0x100] =	vst v8;
	v8 =	vld [tilespmem:s17+$0x0]  }
0x166: {  	s19 =	sor.u32 $0x20, s21;
	s26 =	sor.u32 s18, s31;
	v9 =	vld.idx.msk [tilespmem:v9+s14+$0x0], $0xffff  }
0x167: {  	s10 =	sor.u32 s19, s31;
	v13 =	vld [tilespmem:s26+$0x0];
	v12 =	vor.u32 $0x200, v4;
	v14 =	vshll.u32 v11, $0x3  }
0x168: {  	v15 =	vld [tilespmem:s10+$0x0];
	[tilespmem:s6+$0x100] =	vst v10;
	v10 =	vor.u32 $0x200, v0;
	v11 =	vand.u32 $0x7F, v11;
	v14 =	vand.u32 $0xFFFFFC00, v14  }
0x169: {  	p1 =	por $0x0, $0x0;
	s9 =	simm.s32 $0x1;
	v16 =	vld.idx.msk [tilespmem:v2+s14+$0x0], $0xffff;
	[tilespmem:s15+$0x180] =	vst v1;
	v1 =	vor.u32 v11, v14  }
0x16a: {  	s9 =	simm.s32 @!p1 $0x0;
	v11 =	vor.u32 $0x200, v3;
	v7 =	vld.idx.msk [tilespmem:v7+s14+$0x0], $0xffff;
	v2 =	vshll.u32 v8, $0x3  }
0x16b: {  	s30 =	sshll.u32 s9, $0x6;
	v8 =	vand.u32 $0x7F, v8;
	[tilespmem:s5+$0x180] =	vst v9;
	v2 =	vand.u32 $0xFFFFFC00, v2;
	v9 =	vor.u32 $0x280, v5  }
0x16c: {  	s2 =	sadd.s32 $0x0, s30;
	v14 =	vor.u32 $0x280, v4;
	[tilespmem:s16+$0x180] =	vst v6;
	v6 =	vld.idx.msk [tilespmem:v12+s14+$0x0], $0xffff;
	v12 =	vshll.u32 v13, $0x3;
	v2 =	vor.u32 v8, v2  }
0x16d: {  	s5 =	sadd.s32 $0x30, s2;
	v8 =	vld.idx.msk [tilespmem:v10+s14+$0x0], $0xffff;
	v10 =	vshll.u32 v15, $0x3;
	v13 =	vand.u32 $0x7F, v13;
	v12 =	vand.u32 $0xFFFFFC00, v12  }
0x16e: {  	s31 =	sor.u32 $0x200, s5;
	v10 =	vand.u32 $0xFFFFFC00, v10;
	[tilespmem:s6+$0x180] =	vst v16;
	v17 =	vld.idx.msk [tilespmem:v1+s14+$0x0], $0xffff;
	v21 =	vor.u32 v13, v12;
	v12 =	vand.u32 $0x7F, v15  }
0x16f: {  	s6 =	sadd.s32 $0x10, s2;
	v11 =	vld.idx.msk [tilespmem:v11+s14+$0x0], $0xffff;
	v10 =	vor.u32 v12, v10;
	[tilespmem:s31+$0x10800] =	vst v7  }
0x170: {  	s10 =	sor.u32 $0x200, s6;
	v7 =	vor.u32 $0x280, v0;
	v9 =	vld.idx.msk [tilespmem:v9+s14+$0x0], $0xffff  }
0x171: {  	s26 =	simm.s32 $0x200;
	s11 =	sor.u32 $0x200, s2;
	v12 =	vor.u32 $0x280, v3;
	v13 =	vld.idx.msk [tilespmem:v2+s14+$0x0], $0xffff;
	[tilespmem:s10+$0x10800] =	vst v6  }
0x172: {  	s9 =	sadd.s32 $0x20, s2;
	s15 =	sand.u32 $0x3C00, s26;
	[tilespmem:s11+$0x10800] =	vst v8;
	v8 =	vor.u32 $0x80, v1;
	v6 =	vld.idx.msk [tilespmem:v14+s14+$0x0], $0xffff  }
0x173: {  	s12 =	sor.u32 $0x200, s9;
	s10 =	sadd.s32 $0x10800, s15;
	v14 =	vor.u32 $0x300, v5;
	v15 =	vld.idx.msk [tilespmem:v21+s14+$0x0], $0xffff  }
0x174: {  	v16 =	vor.u32 $0x80, v2;
	s11 =	sor.u32 s21, s10;
	[tilespmem:s12+$0x10800] =	vst v11;
	v18 =	vld.idx.msk [tilespmem:v10+s14+$0x0], $0xffff  }
0x175: {  	s16 =	sor.u32 $0x280, s5;
	v19 =	vor.u32 $0x80, v21;
	[tilespmem:s11+$0x0] =	vst v17;
	v7 =	vld.idx.msk [tilespmem:v7+s14+$0x0], $0xffff  }
0x176: {  	s3 =	sor.u32 s1, s10;
	v11 =	vor.u32 $0x80, v10;
	v12 =	vld.idx.msk [tilespmem:v12+s14+$0x0], $0xffff;
	[tilespmem:s16+$0x10800] =	vst v9  }
0x177: {  	s17 =	sor.u32 $0x280, s6;
	v9 =	vor.u32 $0x300, v4;
	[tilespmem:s3+$0x0] =	vst v13;
	v8 =	vld.idx.msk [tilespmem:v8+s14+$0x0], $0xffff  }
0x178: {  	s21 =	sor.u32 s18, s10;
	v13 =	vld.idx.msk [tilespmem:v14+s14+$0x0], $0xffff;
	v14 =	vor.u32 $0x300, v3;
	[tilespmem:s17+$0x10800] =	vst v6  }
0x179: {  	s1 =	sor.u32 s19, s10;
	v5 =	vor.u32 $0x380, v5;
	v16 =	vld.idx.msk [tilespmem:v16+s14+$0x0], $0xffff;
	[tilespmem:s21+$0x0] =	vst v15  }
0x17a: {  	s18 =	sor.u32 $0x280, s9;
	v17 =	vor.u32 $0x100, v2;
	v15 =	vld.idx.msk [tilespmem:v19+s14+$0x0], $0xffff;
	[tilespmem:s1+$0x0] =	vst v18  }
0x17b: {  	v18 =	vor.u32 $0x100, v1;
	[tilespmem:s18+$0x10800] =	vst v12;
	v20 =	vld.idx.msk [tilespmem:v11+s14+$0x0], $0xffff  }
0x17c: {  	s19 =	sor.u32 $0x300, s5;
	v6 =	vor.u32 $0x100, v21;
	v22 =	vld.idx.msk [tilespmem:v9+s14+$0x0], $0xffff;
	[tilespmem:s11+$0x80] =	vst v8  }
0x17d: {  	v23 =	vor.u32 $0x100, v10;
	v14 =	vld.idx.msk [tilespmem:v14+s14+$0x0], $0xffff;
	[tilespmem:s19+$0x10800] =	vst v13  }
0x17e: {  	[tilespmem:s3+$0x80] =	vst v16;
	v16 =	vor.u32 $0x300, v0;
	v62 =	vld.idx.msk [tilespmem:v5+s14+$0x0], $0xffff  }
0x17f: {  	v63 =	vor.u32 $0x380, v4;
	v19 =	vld.idx.msk [tilespmem:v17+s14+$0x0], $0xffff;
	[tilespmem:s21+$0x80] =	vst v15  }
0x180: {  	s31 =	sor.u32 $0x300, s6;
	v4 =	vor.u32 $0x380, v21;
	v17 =	vld.idx.msk [tilespmem:v18+s14+$0x0], $0xffff;
	[tilespmem:s1+$0x80] =	vst v20  }
0x181: {  	s30 =	sor.u32 $0x280, s2;
	v11 =	vor.u32 $0x200, v21;
	v8 =	vor.u32 $0x280, v21;
	v18 =	vld.idx.msk [tilespmem:v6+s14+$0x0], $0xffff;
	[tilespmem:s31+$0x10800] =	vst v22;
	v22 =	vor.u32 $0x180, v2  }
0x182: {  	s0 =	simm.s32 $0x4;
	s7 =	sor.u32 $0x300, s2;
	[tilespmem:s30+$0x10800] =	vst v7;
	v13 =	vor.u32 $0x180, v21;
	v6 =	vor.u32 $0x300, v21;
	v21 =	vor.u32 $0x180, v1;
	v20 =	vld.idx.msk [tilespmem:v23+s14+$0x0], $0xffff  }
0x183: {  	s28 =	sor.u32 $0x380, s2;
	s29 =	sor.u32 $0x380, s9;
	s5 =	sor.u32 $0x380, s5;
	v3 =	vor.u32 $0x380, v3;
	v12 =	vor.u32 $0x180, v10;
	v7 =	vor.u32 $0x280, v10;
	v15 =	vld.idx.msk [tilespmem:v16+s14+$0x0], $0xffff  }
0x184: {  	s2 =	simm.s32 $0x80;
	s6 =	sor.u32 $0x380, s6;
	s12 =	sor.u32 $0x300, s9;
	v9 =	vor.u32 $0x200, v10;
	v5 =	vor.u32 $0x300, v10;
	v10 =	vor.u32 $0x380, v10;
	v16 =	vld.idx.msk [tilespmem:v63+s14+$0x0], $0xffff;
	[tilespmem:s5+$0x10800] =	vst v62  }
.LBB2_7:
0x185: {  	v23 =	vld [tilespmem:s2+$0x0];
	[tilespmem:s3+$0x100] =	vst v19;
	s25 =	sadd.s32 $0x40, s25  }
0x186: {  	s0 =	sadd.s32 $0x4, s0;
	s5 =	sand.u32 $0x40, s25;
	[tilespmem:s11+$0x100] =	vst v17;
	v17 =	vld.idx.msk [tilespmem:v22+s14+$0x0], $0xffff  }
0x187: {  	s15 =	sand.u32 $0x780, s25;
	p2 =	slt.u32 s0, $0x7C;
	s9 =	sor.u32 $0x30, s5;
	v19 =	vld.idx.msk [tilespmem:v21+s14+$0x0], $0xffff;
	[tilespmem:s21+$0x100] =	vst v18  }
0x188: {  	s16 =	sor.u32 $0x10, s5;
	s10 =	sor.u32 $0x20, s5;
	v18 =	vor.u32 $0x200, v2;
	s17 =	sor.u32 s9, s15;
	v13 =	vld.idx.msk [tilespmem:v13+s14+$0x0], $0xffff;
	[tilespmem:s1+$0x100] =	vst v20  }
0x189: {  	v21 =	vor.u32 $0x200, v1;
	s18 =	sor.u32 s16, s15;
	s15 =	sor.u32 s10, s15;
	v20 =	vld [tilespmem:s17+$0x0];
	[tilespmem:s12+$0x10800] =	vst v14  }
0x18a: {  	v14 =	vld [tilespmem:s18+$0x0];
	[tilespmem:s7+$0x10800] =	vst v15  }
0x18b: {  	v15 =	vshll.u32 v23, $0x3;
	v22 =	vld [tilespmem:s15+$0x0];
	[tilespmem:s6+$0x10800] =	vst v16  }
0x18c: {  	v16 =	vand.u32 $0x7F, v23;
	v15 =	vand.u32 $0xFFFFFC00, v15;
	v12 =	vld.idx.msk [tilespmem:v12+s14+$0x0], $0xffff;
	[tilespmem:s3+$0x180] =	vst v17;
	v17 =	vor.u32 $0x380, v0;
	v0 =	vmovc v1  }
0x18d: {  	p1 =	por !p1, !p1;
	v1 =	vor.u32 v16, v15;
	s3 =	simm.s32 $0x1;
	[tilespmem:s11+$0x180] =	vst v19;
	v15 =	vld.idx.msk [tilespmem:v18+s14+$0x0], $0xffff  }
0x18e: {  	s3 =	simm.s32 @!p1 $0x0;
	v16 =	vshll.u32 v20, $0x3;
	v18 =	vld.idx.msk [tilespmem:v21+s14+$0x0], $0xffff;
	[tilespmem:s21+$0x180] =	vst v13  }
0x18f: {  	v13 =	vand.u32 $0x7F, v20;
	s3 =	sshll.u32 s3, $0x6;
	v16 =	vand.u32 $0xFFFFFC00, v16;
	v19 =	vld.idx.msk [tilespmem:v11+s14+$0x0], $0xffff;
	v11 =	vor.u32 $0x280, v2  }
0x190: {  	v20 =	vshll.u32 v14, $0x3;
	s3 =	sadd.s32 s3, s26;
	v21 =	vshll.u32 v22, $0x3;
	v16 =	vor.u32 v13, v16;
	v23 =	vld.idx.msk [tilespmem:v3+s14+$0x0], $0xffff;
	v3 =	vmovc v10  }
0x191: {  	v10 =	vand.u32 $0x7F, v14;
	v13 =	vand.u32 $0xFFFFFC00, v20;
	s6 =	sadd.s32 $0x10, s3;
	s11 =	sadd.s32 $0x20, s3;
	s30 =	sadd.s32 $0x30, s3;
	v14 =	vand.u32 $0xFFFFFC00, v21;
	v17 =	vld.idx.msk [tilespmem:v17+s14+$0x0], $0xffff  }
0x192: {  	v10 =	vor.u32 v10, v13;
	v13 =	vand.u32 $0x7F, v22;
	v21 =	vor.u32 $0x280, v0;
	s19 =	sor.u32 $0x200, s6;
	s7 =	sor.u32 $0x200, s30;
	v20 =	vld.idx.msk [tilespmem:v1+s14+$0x0], $0xffff;
	[tilespmem:s1+$0x180] =	vst v12;
	s1 =	sor.u32 $0x200, s11  }
0x193: {  	s12 =	sor.u32 $0x200, s3;
	s31 =	sor.u32 $0x280, s6;
	s18 =	sor.u32 $0x280, s11;
	v22 =	vor.u32 $0x80, v10;
	v24 =	vor.u32 $0x100, v10;
	v14 =	vor.u32 v13, v14;
	v25 =	vld.idx.msk [tilespmem:v9+s14+$0x0], $0xffff;
	[tilespmem:s7+$0x10800] =	vst v15  }
0x194: {  	s17 =	sor.u32 $0x280, s3;
	s15 =	sor.u32 $0x300, s6;
	v13 =	vor.u32 $0x180, v10;
	v15 =	vor.u32 $0x80, v14;
	v26 =	vor.u32 $0x100, v14;
	[tilespmem:s12+$0x10800] =	vst v18;
	s12 =	sor.u32 $0x300, s11;
	v18 =	vld.idx.msk [tilespmem:v11+s14+$0x0], $0xffff  }
0x195: {  	s6 =	sor.u32 $0x380, s6;
	v12 =	vor.u32 $0x180, v14;
	v9 =	vor.u32 $0x200, v14;
	s7 =	sor.u32 $0x300, s3;
	v11 =	vor.u32 $0x200, v10;
	s11 =	sor.u32 $0x380, s11;
	v27 =	vld.idx.msk [tilespmem:v16+s14+$0x0], $0xffff;
	[tilespmem:s19+$0x10800] =	vst v19  }
0x196: {  	v29 =	vor.u32 $0x300, v2;
	s3 =	sor.u32 $0x380, s3;
	v19 =	vor.u32 $0x280, v14;
	v28 =	vld.idx.msk [tilespmem:v8+s14+$0x0], $0xffff;
	v8 =	vor.u32 $0x280, v10;
	[tilespmem:s29+$0x10800] =	vst v23;
	s29 =	smov.u32 s11  }
0x197: {  	s26 =	sadd.s32 $0x200, s26;
	v32 =	vor.u32 $0x80, v16;
	v30 =	vor.u32 $0x300, v10;
	v31 =	vor.u32 $0x300, v14;
	v23 =	vld.idx.msk [tilespmem:v10+s14+$0x0], $0xffff;
	[tilespmem:s28+$0x10800] =	vst v17;
	s28 =	smov.u32 s3  }
0x198: {  	v33 =	vor.u32 $0x380, v10;
	s3 =	sand.u32 $0x3C00, s26;
	v17 =	vor.u32 $0x80, v1;
	v10 =	vor.u32 $0x380, v14;
	v34 =	vld.idx.msk [tilespmem:v14+s14+$0x0], $0xffff  }
0x199: {  	s19 =	sadd.s32 $0x10800, s3;
	v35 =	vld.idx.msk [tilespmem:v21+s14+$0x0], $0xffff;
	[tilespmem:s1+$0x10800] =	vst v25;
	s1 =	sor.u32 $0x280, s30  }
0x19a: {  	s11 =	sor.u32 s5, s19;
	s21 =	sor.u32 s16, s19;
	s3 =	sor.u32 s9, s19;
	v14 =	vld.idx.msk [tilespmem:v7+s14+$0x0], $0xffff;
	[tilespmem:s1+$0x10800] =	vst v18;
	v7 =	vmov v19  }
0x19b: {  	s1 =	sor.u32 s10, s19;
	[tilespmem:s3+$0x0] =	vst v27;
	v18 =	vld.idx.msk [tilespmem:v29+s14+$0x0], $0xffff  }
0x19c: {  	[tilespmem:s11+$0x0] =	vst v20;
	v19 =	vld.idx.msk [tilespmem:v32+s14+$0x0], $0xffff  }
0x19d: {  	v20 =	vor.u32 $0x380, v2;
	v2 =	vmov v16;
	v17 =	vld.idx.msk [tilespmem:v17+s14+$0x0], $0xffff;
	[tilespmem:s21+$0x0] =	vst v23  }
0x19e: {  	v21 =	vor.u32 $0x100, v2;
	v16 =	vld.idx.msk [tilespmem:v22+s14+$0x0], $0xffff;
	[tilespmem:s1+$0x0] =	vst v34  }
0x19f: {  	v22 =	vor.u32 $0x100, v1;
	v15 =	vld.idx.msk [tilespmem:v15+s14+$0x0], $0xffff;
	[tilespmem:s31+$0x10800] =	vst v28  }
0x1a0: {  	s5 =	sor.u32 $0x300, s30;
	v23 =	vld.idx.msk [tilespmem:v6+s14+$0x0], $0xffff;
	[tilespmem:s18+$0x10800] =	vst v14;
	v6 =	vmov v30  }
0x1a1: {  	v14 =	vld.idx.msk [tilespmem:v5+s14+$0x0], $0xffff;
	[tilespmem:s5+$0x10800] =	vst v18;
	v5 =	vmov v31  }
0x1a2: {  	v25 =	vor.u32 $0x300, v0;
	[tilespmem:s3+$0x80] =	vst v19;
	v27 =	vld.idx.msk [tilespmem:v20+s14+$0x0], $0xffff  }
0x1a3: {  	[tilespmem:s11+$0x80] =	vst v17;
	v19 =	vld.idx.msk [tilespmem:v21+s14+$0x0], $0xffff  }
.Ltmp4:
0x1a4: {  	v17 =	vld.idx.msk [tilespmem:v22+s14+$0x0], $0xffff;
	[tilespmem:s21+$0x80] =	vst v16;
	(pc) =	sbr.rel @p2 .LBB2_7-.Ltmp4, $4  }
0x1a5: {  	v22 =	vor.u32 $0x180, v2;
	v18 =	vld.idx.msk [tilespmem:v24+s14+$0x0], $0xffff;
	[tilespmem:s1+$0x80] =	vst v15  }
0x1a6: {  	v21 =	vor.u32 $0x180, v1;
	v20 =	vld.idx.msk [tilespmem:v26+s14+$0x0], $0xffff;
	[tilespmem:s17+$0x10800] =	vst v35  }
0x1a7: {  	s5 =	sor.u32 $0x380, s30;
	v15 =	vld.idx.msk [tilespmem:v25+s14+$0x0], $0xffff;
	[tilespmem:s15+$0x10800] =	vst v23  }
0x1a8: {  	s2 =	sadd.s32 $0x40, s2;
	v16 =	vld.idx.msk [tilespmem:v4+s14+$0x0], $0xffff;
	[tilespmem:s5+$0x10800] =	vst v27;
	v4 =	vmov v33  }
0x1a9: {  	_ =	sdelay $0x2  }
0x1aa: {  	[tilespmem:s3+$0x100] =	vst v19  }
0x1ab: {  	v19 =	vld.idx.msk [tilespmem:v22+s14+$0x0], $0xffff;
	[tilespmem:s21+$0x100] =	vst v18  }
0x1ac: {  	[tilespmem:s11+$0x100] =	vst v17;
	v18 =	vor.u32 $0x200, v2;
	v13 =	vld.idx.msk [tilespmem:v13+s14+$0x0], $0xffff  }
0x1ad: {  	v17 =	vld.idx.msk [tilespmem:v21+s14+$0x0], $0xffff;
	[tilespmem:s1+$0x100] =	vst v20  }
0x1ae: {  	v20 =	vor.u32 $0x200, v1;
	v12 =	vld.idx.msk [tilespmem:v12+s14+$0x0], $0xffff;
	_ =	sdelay $0x1  }
0x1af: {  	p1 =	por !p1, !p1;
	s0 =	simm.s32 $0x1;
	[tilespmem:s3+$0x180] =	vst v19  }
0x1b0: {  	s0 =	simm.s32 @!p1 $0x0;
	v18 =	vld.idx.msk [tilespmem:v18+s14+$0x0], $0xffff;
	[tilespmem:s21+$0x180] =	vst v13  }
0x1b1: {  	s0 =	sshll.u32 s0, $0x6;
	[tilespmem:s11+$0x180] =	vst v17;
	v13 =	vor.u32 $0x280, v2;
	v11 =	vld.idx.msk [tilespmem:v11+s14+$0x0], $0xffff  }
0x1b2: {  	s0 =	sadd.s32 s0, s26;
	[tilespmem:s1+$0x180] =	vst v12;
	v12 =	vld.idx.msk [tilespmem:v20+s14+$0x0], $0xffff  }
0x1b3: {  	v17 =	vor.u32 $0x280, v1;
	s1 =	sadd.s32 $0x30, s0;
	v9 =	vld.idx.msk [tilespmem:v9+s14+$0x0], $0xffff  }
0x1b4: {  	s2 =	sadd.s32 $0x10, s0;
	s26 =	sor.u32 $0x200, s1  }
0x1b5: {  	s9 =	sor.u32 $0x200, s2;
	[tilespmem:s26+$0x10800] =	vst v18  }
0x1b6: {  	s5 =	sadd.s32 $0x20, s0;
	s11 =	sor.u32 $0x200, s0;
	v13 =	vld.idx.msk [tilespmem:v13+s14+$0x0], $0xffff;
	[tilespmem:s9+$0x10800] =	vst v11  }
0x1b7: {  	s10 =	sor.u32 $0x200, s5;
	v11 =	vor.u32 $0x300, v2;
	[tilespmem:s11+$0x10800] =	vst v12;
	v8 =	vld.idx.msk [tilespmem:v8+s14+$0x0], $0xffff  }
0x1b8: {  	[tilespmem:s10+$0x10800] =	vst v9;
	v9 =	vld.idx.msk [tilespmem:v17+s14+$0x0], $0xffff  }
0x1b9: {  	v12 =	vor.u32 $0x300, v1;
	v7 =	vld.idx.msk [tilespmem:v7+s14+$0x0], $0xffff  }
0x1ba: {  	[tilespmem:s12+$0x10800] =	vst v14;
	s15 =	sor.u32 $0x280, s1  }
0x1bb: {  	s16 =	sor.u32 $0x280, s2;
	[tilespmem:s15+$0x10800] =	vst v13  }
0x1bc: {  	v0 =	vor.u32 $0x380, v0;
	s18 =	sor.u32 $0x280, s0;
	v11 =	vld.idx.msk [tilespmem:v11+s14+$0x0], $0xffff;
	[tilespmem:s16+$0x10800] =	vst v8  }
0x1bd: {  	s17 =	sor.u32 $0x280, s5;
	v2 =	vor.u32 $0x380, v2;
	[tilespmem:s18+$0x10800] =	vst v9;
	v6 =	vld.idx.msk [tilespmem:v6+s14+$0x0], $0xffff  }
0x1be: {  	[tilespmem:s17+$0x10800] =	vst v7;
	v7 =	vld.idx.msk [tilespmem:v12+s14+$0x0], $0xffff  }
0x1bf: {  	[tilespmem:s7+$0x10800] =	vst v15;
	v1 =	vor.u32 $0x380, v1;
	v5 =	vld.idx.msk [tilespmem:v5+s14+$0x0], $0xffff  }
0x1c0: {  	v3 =	vld.idx.msk [tilespmem:v3+s14+$0x0], $0xffff;
	[tilespmem:s6+$0x10800] =	vst v16;
	s19 =	sor.u32 $0x300, s1  }
0x1c1: {  	v0 =	vld.idx.msk [tilespmem:v0+s14+$0x0], $0xffff;
	s21 =	sor.u32 $0x300, s2;
	[tilespmem:s19+$0x10800] =	vst v11  }
0x1c2: {  	s26 =	sor.u32 $0x300, s0;
	v2 =	vld.idx.msk [tilespmem:v2+s14+$0x0], $0xffff;
	[tilespmem:s21+$0x10800] =	vst v6  }
0x1c3: {  	s25 =	sor.u32 $0x300, s5;
	[tilespmem:s26+$0x10800] =	vst v7;
	v4 =	vld.idx.msk [tilespmem:v4+s14+$0x0], $0xffff  }
0x1c4: {  	[tilespmem:s25+$0x10800] =	vst v5;
	v1 =	vld.idx.msk [tilespmem:v1+s14+$0x0], $0xffff  }
0x1c5: {  	[tilespmem:s29+$0x10800] =	vst v3;
	v5 =	vld.idx.msk [tilespmem:v10+s14+$0x0], $0xffff  }
0x1c6: {  	s1 =	sor.u32 $0x380, s1;
	[tilespmem:s28+$0x10800] =	vst v0  }
0x1c7: {  	s2 =	sor.u32 $0x380, s2;
	[tilespmem:s1+$0x10800] =	vst v2  }
0x1c8: {  	s0 =	sor.u32 $0x380, s0;
	[tilespmem:s2+$0x10800] =	vst v4  }
0x1c9: {  	s24 =	sor.u32 $0x1000, s24;
	s7 =	rddreg [dreg:$0x2];
	s6 =	sor.u32 $0x380, s5;
	[tilespmem:s0+$0x10800] =	vst v1  }
0x1ca: {  	s9 =	simm.s32 $0x10800;
	s25 =	simm.s32 $0x0;
	s0 =	sadd.s32 s7, s24;
	[tilespmem:s6+$0x10800] =	vst v5  }
0x1cb: {  	[hbm4b:s0+s25] =	stream.linear.scatter [tilespmem:s9], [sflag:$0x3], $0x4000, $0x38;
	[tilespmem:$0x18800] =	vst v63  }
0x1cc: {  	s10 =	sand.u32 $0x40, s25;
	_ =	swait.ge [sflag:s20], $0x4000  }
0x1cd: {  	s11 =	sand.u32 $0x780, s25;
	s12 =	sor.u32 $0x30, s10;
	[sflag:s20] =	ssyncset.done $0x0  }
0x1ce: {  	s15 =	sor.u32 s12, s11;
	[sflag:s20] =	ssyncadd.s32 $0xFFFFC000  }
0x1cf: {  	v0 =	vld [tilespmem:s15+$0x0]  }
0x1d0: {  	s16 =	sor.u32 $0x10, s10;
	v1 =	vld [tilespmem:s25+$0x0]  }
0x1d1: {  	s18 =	sor.u32 s16, s11  }
0x1d2: {  	s17 =	sor.u32 $0x20, s10;
	v2 =	vld [tilespmem:s18+$0x0]  }
0x1d3: {  	s1 =	sor.u32 s17, s11  }
0x1d4: {  	v3 =	vld [tilespmem:s1+$0x0];
	v4 =	vshll.u32 v0, $0x3  }
0x1d5: {  	v5 =	vshll.u32 v1, $0x3;
	v0 =	vand.u32 $0x7F, v0;
	v4 =	vand.u32 $0xFFFFFC00, v4  }
0x1d6: {  	v6 =	vand.u32 $0x7F, v1;
	v5 =	vand.u32 $0xFFFFFC00, v5;
	v1 =	vor.u32 v0, v4  }
0x1d7: {  	v0 =	vor.u32 v6, v5;
	v6 =	vshll.u32 v2, $0x3;
	v4 =	vadd.s32 $0x4000, v1  }
0x1d8: {  	v2 =	vand.u32 $0x7F, v2;
	v5 =	vadd.s32 $0x4000, v0;
	v6 =	vand.u32 $0xFFFFFC00, v6  }
0x1d9: {  	v7 =	vshll.u32 v3, $0x3;
	v9 =	vor.u32 v2, v6  }
0x1da: {  	v3 =	vand.u32 $0x7F, v3;
	v7 =	vand.u32 $0xFFFFFC00, v7;
	v2 =	vadd.s32 $0x4000, v9  }
0x1db: {  	v3 =	vor.u32 v3, v7  }
0x1dc: {  	v6 =	vadd.s32 $0x4000, v3;
	v4 =	vld.idx.msk [tilespmem:v4+s14+$0x0], $0xffff  }
0x1dd: {  	v7 =	vadd.s32 $0x4080, v1;
	v5 =	vld.idx.msk [tilespmem:v5+s14+$0x0], $0xffff  }
0x1de: {  	s19 =	sand.u32 $0x3C00, s25;
	v8 =	vadd.s32 $0x4080, v0  }
0x1df: {  	s21 =	sadd.s32 $0x14800, s19;
	v2 =	vld.idx.msk [tilespmem:v2+s14+$0x0], $0xffff  }
0x1e0: {  	s26 =	sor.u32 s12, s21;
	v10 =	vadd.s32 $0x4080, v9  }
0x1e1: {  	s1 =	sor.u32 s10, s21;
	v6 =	vld.idx.msk [tilespmem:v6+s14+$0x0], $0xffff;
	[tilespmem:s26+$0x0] =	vst v4  }
0x1e2: {  	v4 =	vadd.s32 $0x4080, v3;
	[tilespmem:s1+$0x0] =	vst v5;
	v5 =	vld.idx.msk [tilespmem:v7+s14+$0x0], $0xffff  }
0x1e3: {  	s2 =	sor.u32 s16, s21;
	v7 =	vld.idx.msk [tilespmem:v8+s14+$0x0], $0xffff;
	v8 =	vadd.s32 $0x4100, v1  }
0x1e4: {  	v11 =	vadd.s32 $0x4100, v0;
	[tilespmem:s2+$0x0] =	vst v2  }
0x1e5: {  	s29 =	simm.s32 $0x40;
	s12 =	sor.u32 s17, s21;
	v2 =	vld.idx.msk [tilespmem:v10+s14+$0x0], $0xffff  }
0x1e6: {  	v12 =	vld [tilespmem:s29+$0x0];
	[tilespmem:s12+$0x0] =	vst v6;
	v6 =	vadd.s32 $0x4100, v9  }
0x1e7: {  	s30 =	sand.u32 $0x40, s29;
	v4 =	vld.idx.msk [tilespmem:v4+s14+$0x0], $0xffff;
	[tilespmem:s26+$0x80] =	vst v5  }
0x1e8: {  	s17 =	sand.u32 $0x780, s29;
	s7 =	sor.u32 $0x30, s30;
	v5 =	vadd.s32 $0x4100, v3;
	[tilespmem:s1+$0x80] =	vst v7;
	v7 =	vld.idx.msk [tilespmem:v8+s14+$0x0], $0xffff  }
0x1e9: {  	s18 =	sor.u32 s7, s17;
	v10 =	vadd.s32 $0x4180, v1;
	v8 =	vld.idx.msk [tilespmem:v11+s14+$0x0], $0xffff  }
0x1ea: {  	s6 =	sor.u32 $0x10, s30;
	v16 =	vld [tilespmem:s18+$0x0];
	v11 =	vadd.s32 $0x4180, v0;
	[tilespmem:s2+$0x80] =	vst v2  }
0x1eb: {  	s10 =	sor.u32 s6, s17;
	v2 =	vld.idx.msk [tilespmem:v6+s14+$0x0], $0xffff  }
0x1ec: {  	v18 =	vld [tilespmem:s10+$0x0];
	v13 =	vadd.s32 $0x4180, v9;
	[tilespmem:s12+$0x80] =	vst v4  }
0x1ed: {  	v15 =	vadd.s32 $0x4180, v3;
	v17 =	vadd.s32 $0x4200, v1;
	v19 =	vadd.s32 $0x4200, v0;
	v5 =	vld.idx.msk [tilespmem:v5+s14+$0x0], $0xffff;
	[tilespmem:s26+$0x100] =	vst v7  }
0x1ee: {  	s11 =	sor.u32 $0x20, s30;
	v14 =	vadd.s32 $0x4200, v9;
	v6 =	vadd.s32 $0x4300, v9;
	v4 =	vshll.u32 v12, $0x3;
	[tilespmem:s1+$0x100] =	vst v8;
	v10 =	vld.idx.msk [tilespmem:v10+s14+$0x0], $0xffff  }
0x1ef: {  	s5 =	sor.u32 s11, s17;
	v4 =	vand.u32 $0xFFFFFC00, v4;
	v8 =	vadd.s32 $0x4280, v9;
	v7 =	vand.u32 $0x7F, v12;
	v11 =	vld.idx.msk [tilespmem:v11+s14+$0x0], $0xffff  }
0x1f0: {  	v12 =	vld [tilespmem:s5+$0x0];
	[tilespmem:s2+$0x100] =	vst v2;
	v2 =	vor.u32 v7, v4;
	v4 =	vadd.s32 $0x4380, v9;
	v9 =	vshll.u32 v16, $0x3  }
0x1f1: {  	v16 =	vand.u32 $0x7F, v16;
	v13 =	vld.idx.msk [tilespmem:v13+s14+$0x0], $0xffff;
	v21 =	vadd.s32 $0x4000, v2;
	v9 =	vand.u32 $0xFFFFFC00, v9  }
0x1f2: {  	p1 =	por $0x0, $0x0;
	s3 =	simm.s32 $0x1;
	v20 =	vadd.s32 $0x4200, v3;
	[tilespmem:s12+$0x100] =	vst v5;
	v9 =	vor.u32 v16, v9  }
0x1f3: {  	s3 =	simm.s32 @!p1 $0x0;
	v25 =	vadd.s32 $0x4280, v1;
	v31 =	vadd.s32 $0x4280, v0;
	v15 =	vld.idx.msk [tilespmem:v15+s14+$0x0], $0xffff;
	v29 =	vadd.s32 $0x4000, v9;
	[tilespmem:s26+$0x180] =	vst v10  }
0x1f4: {  	s19 =	sshll.u32 s3, $0x6;
	v7 =	vadd.s32 $0x4280, v3;
	v5 =	vadd.s32 $0x4300, v3;
	v3 =	vadd.s32 $0x4380, v3;
	[tilespmem:s1+$0x180] =	vst v11;
	v10 =	vld.idx.msk [tilespmem:v17+s14+$0x0], $0xffff  }
0x1f5: {  	s16 =	sadd.s32 $0x0, s19;
	v11 =	vshll.u32 v12, $0x3;
	v12 =	vand.u32 $0x7F, v12;
	v17 =	vshll.u32 v18, $0x3;
	v27 =	vld.idx.msk [tilespmem:v19+s14+$0x0], $0xffff  }
0x1f6: {  	s19 =	sadd.s32 $0x20, s16;
	s28 =	sor.u32 $0x380, s16;
	s0 =	sadd.s32 $0x30, s16;
	v11 =	vand.u32 $0xFFFFFC00, v11;
	v18 =	vand.u32 $0x7F, v18;
	v16 =	vand.u32 $0xFFFFFC00, v17;
	v17 =	vld.idx.msk [tilespmem:v21+s14+$0x0], $0xffff;
	[tilespmem:s2+$0x180] =	vst v13  }
0x1f7: {  	s9 =	sor.u32 $0x200, s19;
	s3 =	sor.u32 $0x280, s19;
	s18 =	sadd.s32 $0x10, s16;
	v19 =	vadd.s32 $0x4080, v2;
	v12 =	vor.u32 v12, v11;
	v13 =	vor.u32 v18, v16;
	v23 =	vld.idx.msk [tilespmem:v14+s14+$0x0], $0xffff  }
0x1f8: {  	s21 =	sor.u32 $0x200, s0;
	s17 =	sor.u32 $0x280, s16;
	s10 =	sor.u32 $0x300, s18;
	v26 =	vadd.s32 $0x4000, v12;
	v22 =	vadd.s32 $0x4080, v12;
	[tilespmem:s12+$0x180] =	vst v15;
	v28 =	vadd.s32 $0x4000, v13;
	v30 =	vld.idx.msk [tilespmem:v29+s14+$0x0], $0xffff  }
0x1f9: {  	s15 =	sor.u32 $0x200, s18;
	s31 =	sor.u32 $0x380, s18;
	s26 =	sor.u32 $0x200, s16;
	v16 =	vadd.s32 $0x4100, v12;
	v14 =	vadd.s32 $0x4180, v12;
	v11 =	vadd.s32 $0x4200, v12;
	v24 =	vld.idx.msk [tilespmem:v20+s14+$0x0], $0xffff;
	[tilespmem:s21+$0x14800] =	vst v10  }
0x1fa: {  	s5 =	sor.u32 $0x280, s18;
	s1 =	simm.s32 $0x4;
	s2 =	sor.u32 $0x300, s16;
	v21 =	vadd.s32 $0x4080, v13;
	v18 =	vadd.s32 $0x4100, v13;
	v15 =	vadd.s32 $0x4180, v13;
	[tilespmem:s26+$0x14800] =	vst v27;
	v25 =	vld.idx.msk [tilespmem:v25+s14+$0x0], $0xffff  }
0x1fb: {  	s12 =	sor.u32 $0x300, s19;
	v29 =	vadd.s32 $0x4300, v1;
	v20 =	vadd.s32 $0x4280, v13;
	v10 =	vadd.s32 $0x4200, v13;
	s26 =	sor.u32 $0x380, s19;
	s21 =	simm.s32 $0x80;
	v27 =	vld.idx.msk [tilespmem:v31+s14+$0x0], $0xffff  }
.LBB2_9:
0x1fc: {  	v31 =	vld [tilespmem:s21+$0x0];
	v32 =	vadd.s32 $0x4300, v13;
	v33 =	vadd.s32 $0x4280, v12;
	v34 =	vadd.s32 $0x4080, v9;
	s25 =	sadd.s32 $0x200, s25  }
0x1fd: {  	v13 =	vadd.s32 $0x4380, v13;
	v35 =	vadd.s32 $0x4300, v12;
	v12 =	vadd.s32 $0x4380, v12;
	s16 =	sand.u32 $0x3C00, s25;
	v28 =	vld.idx.msk [tilespmem:v28+s14+$0x0], $0xffff;
	[tilespmem:s15+$0x14800] =	vst v23  }
0x1fe: {  	s19 =	sadd.s32 $0x14800, s16;
	v23 =	vld.idx.msk [tilespmem:v26+s14+$0x0], $0xffff;
	[tilespmem:s9+$0x14800] =	vst v24;
	s9 =	sor.u32 $0x280, s0  }
0x1ff: {  	s15 =	sor.u32 s30, s19;
	s16 =	sor.u32 s6, s19;
	s18 =	sor.u32 s7, s19;
	v24 =	vld.idx.msk [tilespmem:v8+s14+$0x0], $0xffff;
	[tilespmem:s9+$0x14800] =	vst v25;
	v8 =	vmov v20  }
0x200: {  	s9 =	sor.u32 s11, s19;
	[tilespmem:s18+$0x0] =	vst v30;
	v20 =	vld.idx.msk [tilespmem:v29+s14+$0x0], $0xffff  }
0x201: {  	[tilespmem:s15+$0x0] =	vst v17;
	v17 =	vld.idx.msk [tilespmem:v34+s14+$0x0], $0xffff  }
0x202: {  	v25 =	vadd.s32 $0x4380, v1;
	v1 =	vmov v9;
	v19 =	vld.idx.msk [tilespmem:v19+s14+$0x0], $0xffff;
	[tilespmem:s17+$0x14800] =	vst v27  }
0x203: {  	v9 =	vadd.s32 $0x4100, v1;
	[tilespmem:s16+$0x0] =	vst v28;
	v26 =	vld.idx.msk [tilespmem:v7+s14+$0x0], $0xffff;
	v7 =	vmov v33  }
0x204: {  	v27 =	vadd.s32 $0x4100, v2;
	v21 =	vld.idx.msk [tilespmem:v21+s14+$0x0], $0xffff;
	[tilespmem:s9+$0x0] =	vst v23  }
0x205: {  	v22 =	vld.idx.msk [tilespmem:v22+s14+$0x0], $0xffff;
	[tilespmem:s5+$0x14800] =	vst v24;
	s5 =	sor.u32 $0x300, s0  }
0x206: {  	v23 =	vld.idx.msk [tilespmem:v6+s14+$0x0], $0xffff;
	[tilespmem:s5+$0x14800] =	vst v20;
	v6 =	vmov v32  }
0x207: {  	[tilespmem:s18+$0x80] =	vst v17;
	v17 =	vld.idx.msk [tilespmem:v25+s14+$0x0], $0xffff  }
0x208: {  	[tilespmem:s15+$0x80] =	vst v19;
	v9 =	vld.idx.msk [tilespmem:v9+s14+$0x0], $0xffff;
	v19 =	vadd.s32 $0x4300, v0  }
0x209: {  	v20 =	vld.idx.msk [tilespmem:v27+s14+$0x0], $0xffff;
	[tilespmem:s3+$0x14800] =	vst v26  }
0x20a: {  	[tilespmem:s16+$0x80] =	vst v21;
	v21 =	vadd.s32 $0x4180, v1;
	v24 =	vld.idx.msk [tilespmem:v5+s14+$0x0], $0xffff;
	v5 =	vmov v35  }
0x20b: {  	v25 =	vadd.s32 $0x4180, v2;
	v18 =	vld.idx.msk [tilespmem:v18+s14+$0x0], $0xffff;
	[tilespmem:s9+$0x80] =	vst v22  }
0x20c: {  	s0 =	sor.u32 $0x380, s0;
	v16 =	vld.idx.msk [tilespmem:v16+s14+$0x0], $0xffff;
	[tilespmem:s10+$0x14800] =	vst v23  }
0x20d: {  	s29 =	sadd.s32 $0x40, s29;
	v19 =	vld.idx.msk [tilespmem:v19+s14+$0x0], $0xffff;
	[tilespmem:s0+$0x14800] =	vst v17  }
0x20e: {  	s1 =	sadd.s32 $0x4, s1;
	s30 =	sand.u32 $0x40, s29;
	[tilespmem:s18+$0x100] =	vst v9;
	v9 =	vld.idx.msk [tilespmem:v4+s14+$0x0], $0xffff;
	v4 =	vmov v13  }
0x20f: {  	p2 =	slt.u32 s1, $0x7C;
	s7 =	sor.u32 $0x30, s30;
	s0 =	sand.u32 $0x780, s29;
	[tilespmem:s15+$0x100] =	vst v20;
	v13 =	vld.idx.msk [tilespmem:v21+s14+$0x0], $0xffff  }
0x210: {  	s6 =	sor.u32 $0x10, s30;
	s11 =	sor.u32 $0x20, s30;
	s3 =	sor.u32 s7, s0;
	v17 =	vld.idx.msk [tilespmem:v25+s14+$0x0], $0xffff;
	[tilespmem:s12+$0x14800] =	vst v24  }
0x211: {  	s5 =	sor.u32 s6, s0;
	s0 =	sor.u32 s11, s0;
	v20 =	vld [tilespmem:s3+$0x0];
	[tilespmem:s16+$0x100] =	vst v18;
	v18 =	vadd.s32 $0x4200, v1  }
0x212: {  	v23 =	vadd.s32 $0x4200, v2;
	v21 =	vshll.u32 v31, $0x3;
	v22 =	vld [tilespmem:s5+$0x0];
	[tilespmem:s9+$0x100] =	vst v16  }
0x213: {  	v21 =	vand.u32 $0xFFFFFC00, v21;
	v16 =	vand.u32 $0x7F, v31;
	v24 =	vld [tilespmem:s0+$0x0];
	[tilespmem:s2+$0x14800] =	vst v19  }
0x214: {  	v19 =	vadd.s32 $0x4380, v0;
	v0 =	vmov v2;
	v2 =	vor.u32 v16, v21;
	v15 =	vld.idx.msk [tilespmem:v15+s14+$0x0], $0xffff;
	[tilespmem:s31+$0x14800] =	vst v9  }
0x215: {  	p1 =	por !p1, !p1;
	s0 =	simm.s32 $0x1;
	v16 =	vadd.s32 $0x4000, v2;
	v14 =	vld.idx.msk [tilespmem:v14+s14+$0x0], $0xffff;
	[tilespmem:s18+$0x180] =	vst v13  }
0x216: {  	s0 =	simm.s32 @!p1 $0x0;
	v9 =	vshll.u32 v20, $0x3;
	[tilespmem:s15+$0x180] =	vst v17;
	v18 =	vld.idx.msk [tilespmem:v18+s14+$0x0], $0xffff  }
0x217: {  	s0 =	sshll.u32 s0, $0x6;
	v17 =	vand.u32 $0x7F, v20;
	v13 =	vshll.u32 v22, $0x3;
	v9 =	vand.u32 $0xFFFFFC00, v9;
	v20 =	vld.idx.msk [tilespmem:v23+s14+$0x0], $0xffff  }
0x218: {  	v25 =	vadd.s32 $0x4280, v1;
	s18 =	sadd.s32 s0, s25;
	v21 =	vshll.u32 v24, $0x3;
	v9 =	vor.u32 v17, v9;
	v27 =	vld.idx.msk [tilespmem:v3+s14+$0x0], $0xffff;
	v3 =	vmovc v12  }
0x219: {  	s0 =	sadd.s32 $0x30, s18;
	v12 =	vand.u32 $0xFFFFFC00, v13;
	v21 =	vand.u32 $0xFFFFFC00, v21;
	v29 =	vadd.s32 $0x4000, v9;
	v31 =	vld.idx.msk [tilespmem:v19+s14+$0x0], $0xffff  }
0x21a: {  	v32 =	vadd.s32 $0x4280, v0;
	s19 =	sadd.s32 $0x20, s18;
	v13 =	vand.u32 $0x7F, v22;
	s2 =	sor.u32 $0x200, s0;
	v17 =	vld.idx.msk [tilespmem:v16+s14+$0x0], $0xffff;
	v16 =	vand.u32 $0x7F, v24;
	[tilespmem:s16+$0x180] =	vst v15;
	s16 =	sadd.s32 $0x10, s18  }
.Ltmp5:
0x21b: {  	v19 =	vadd.s32 $0x4080, v2;
	v13 =	vor.u32 v13, v12;
	v12 =	vor.u32 v16, v21;
	v23 =	vld.idx.msk [tilespmem:v10+s14+$0x0], $0xffff;
	s15 =	sor.u32 $0x200, s16;
	[tilespmem:s9+$0x180] =	vst v14;
	s9 =	sor.u32 $0x200, s19;
	(pc) =	sbr.rel @p2 .LBB2_9-.Ltmp5, $4  }
0x21c: {  	s10 =	sor.u32 $0x200, s18;
	s3 =	sor.u32 $0x280, s19;
	v28 =	vadd.s32 $0x4000, v13;
	v21 =	vadd.s32 $0x4080, v13;
	s5 =	sor.u32 $0x280, s16;
	v26 =	vadd.s32 $0x4000, v12;
	v24 =	vld.idx.msk [tilespmem:v11+s14+$0x0], $0xffff;
	[tilespmem:s2+$0x14800] =	vst v18  }
0x21d: {  	s17 =	sor.u32 $0x280, s18;
	s12 =	sor.u32 $0x300, s19;
	v18 =	vadd.s32 $0x4100, v13;
	v22 =	vadd.s32 $0x4080, v12;
	v16 =	vadd.s32 $0x4100, v12;
	[tilespmem:s10+$0x14800] =	vst v20;
	s10 =	sor.u32 $0x300, s16;
	v25 =	vld.idx.msk [tilespmem:v25+s14+$0x0], $0xffff  }
0x21e: {  	v15 =	vadd.s32 $0x4180, v13;
	v10 =	vadd.s32 $0x4200, v13;
	s31 =	sor.u32 $0x380, s16;
	v14 =	vadd.s32 $0x4180, v12;
	s2 =	sor.u32 $0x300, s18;
	v30 =	vld.idx.msk [tilespmem:v29+s14+$0x0], $0xffff;
	[tilespmem:s26+$0x14800] =	vst v27;
	s26 =	sor.u32 $0x380, s19  }
0x21f: {  	s21 =	sadd.s32 $0x40, s21;
	v11 =	vadd.s32 $0x4200, v12;
	v20 =	vadd.s32 $0x4280, v13;
	v29 =	vadd.s32 $0x4300, v1;
	v27 =	vld.idx.msk [tilespmem:v32+s14+$0x0], $0xffff;
	[tilespmem:s28+$0x14800] =	vst v31;
	s28 =	sor.u32 $0x380, s18  }
0x220: {  	_ =	sdelay $0x2  }
0x221: {  	v31 =	vadd.s32 $0x4080, v9;
	s1 =	sadd.s32 $0x200, s25  }
0x222: {  	v28 =	vld.idx.msk [tilespmem:v28+s14+$0x0], $0xffff;
	s16 =	sand.u32 $0x3C00, s1  }
0x223: {  	v26 =	vld.idx.msk [tilespmem:v26+s14+$0x0], $0xffff;
	s16 =	sadd.s32 $0x14800, s16  }
0x224: {  	s7 =	sor.u32 s7, s16  }
0x225: {  	s6 =	sor.u32 s6, s16;
	s11 =	sor.u32 s11, s16;
	s16 =	sor.u32 s30, s16;
	[tilespmem:s7+$0x0] =	vst v30  }
0x226: {  	[tilespmem:s16+$0x0] =	vst v17;
	v30 =	vld.idx.msk [tilespmem:v31+s14+$0x0], $0xffff  }
0x227: {  	v63 =	vadd.s32 $0x4100, v9;
	[tilespmem:s6+$0x0] =	vst v28;
	v19 =	vld.idx.msk [tilespmem:v19+s14+$0x0], $0xffff  }
0x228: {  	[tilespmem:s11+$0x0] =	vst v26;
	v31 =	vadd.s32 $0x4100, v2;
	v21 =	vld.idx.msk [tilespmem:v21+s14+$0x0], $0xffff  }
0x229: {  	[tilespmem:s15+$0x14800] =	vst v23;
	v26 =	vld.idx.msk [tilespmem:v22+s14+$0x0], $0xffff  }
0x22a: {  	[tilespmem:s9+$0x14800] =	vst v24  }
0x22b: {  	[tilespmem:s7+$0x80] =	vst v30  }
0x22c: {  	[tilespmem:s16+$0x80] =	vst v19;
	v32 =	vld.idx.msk [tilespmem:v63+s14+$0x0], $0xffff  }
0x22d: {  	v33 =	vadd.s32 $0x4180, v9;
	[tilespmem:s6+$0x80] =	vst v21;
	v34 =	vld.idx.msk [tilespmem:v31+s14+$0x0], $0xffff  }
0x22e: {  	s19 =	sor.u32 $0x280, s0;
	v35 =	vadd.s32 $0x4180, v2;
	[tilespmem:s11+$0x80] =	vst v26;
	v18 =	vld.idx.msk [tilespmem:v18+s14+$0x0], $0xffff  }
0x22f: {  	[tilespmem:s19+$0x14800] =	vst v25;
	v16 =	vld.idx.msk [tilespmem:v16+s14+$0x0], $0xffff  }
0x230: {  	v8 =	vld.idx.msk [tilespmem:v8+s14+$0x0], $0xffff;
	[tilespmem:s17+$0x14800] =	vst v27  }
0x231: {  	v7 =	vld.idx.msk [tilespmem:v7+s14+$0x0], $0xffff;
	[tilespmem:s7+$0x100] =	vst v32  }
0x232: {  	[tilespmem:s16+$0x100] =	vst v34;
	v21 =	vld.idx.msk [tilespmem:v33+s14+$0x0], $0xffff  }
0x233: {  	v37 =	vadd.s32 $0x4200, v9;
	[tilespmem:s6+$0x100] =	vst v18;
	v38 =	vld.idx.msk [tilespmem:v35+s14+$0x0], $0xffff  }
0x234: {  	v39 =	vadd.s32 $0x4200, v2;
	[tilespmem:s11+$0x100] =	vst v16;
	v15 =	vld.idx.msk [tilespmem:v15+s14+$0x0], $0xffff  }
0x235: {  	[tilespmem:s5+$0x14800] =	vst v8;
	v14 =	vld.idx.msk [tilespmem:v14+s14+$0x0], $0xffff  }
0x236: {  	v36 =	vld.idx.msk [tilespmem:v29+s14+$0x0], $0xffff;
	[tilespmem:s3+$0x14800] =	vst v7  }
0x237: {  	p1 =	por !p1, !p1;
	v46 =	vadd.s32 $0x4300, v0;
	s5 =	simm.s32 $0x1;
	v6 =	vld.idx.msk [tilespmem:v6+s14+$0x0], $0xffff;
	[tilespmem:s7+$0x180] =	vst v21  }
0x238: {  	s5 =	simm.s32 @!p1 $0x0;
	[tilespmem:s16+$0x180] =	vst v38;
	v40 =	vld.idx.msk [tilespmem:v37+s14+$0x0], $0xffff  }
0x239: {  	v41 =	vadd.s32 $0x4280, v9;
	s5 =	sshll.u32 s5, $0x6;
	[tilespmem:s6+$0x180] =	vst v15;
	v44 =	vld.idx.msk [tilespmem:v39+s14+$0x0], $0xffff  }
0x23a: {  	s21 =	sor.u32 $0x300, s0;
	v45 =	vadd.s32 $0x4280, v2;
	s1 =	sadd.s32 s5, s1;
	[tilespmem:s11+$0x180] =	vst v14;
	v10 =	vld.idx.msk [tilespmem:v10+s14+$0x0], $0xffff  }
0x23b: {  	[tilespmem:s21+$0x14800] =	vst v36;
	s3 =	sadd.s32 $0x30, s1;
	v42 =	vld.idx.msk [tilespmem:v11+s14+$0x0], $0xffff  }
0x23c: {  	v43 =	vadd.s32 $0x4280, v12;
	v53 =	vld.idx.msk [tilespmem:v46+s14+$0x0], $0xffff;
	s25 =	sor.u32 $0x200, s3;
	[tilespmem:s10+$0x14800] =	vst v6  }
0x23d: {  	v55 =	vadd.s32 $0x4380, v0;
	v5 =	vld.idx.msk [tilespmem:v5+s14+$0x0], $0xffff;
	s5 =	sadd.s32 $0x10, s1;
	s10 =	sor.u32 $0x200, s1;
	[tilespmem:s25+$0x14800] =	vst v40  }
0x23e: {  	s29 =	sor.u32 $0x200, s5;
	s7 =	sadd.s32 $0x20, s1;
	[tilespmem:s10+$0x14800] =	vst v44;
	v15 =	vld.idx.msk [tilespmem:v41+s14+$0x0], $0xffff  }
0x23f: {  	v47 =	vadd.s32 $0x4300, v9;
	s30 =	sor.u32 $0x200, s7;
	[tilespmem:s29+$0x14800] =	vst v10;
	v52 =	vld.idx.msk [tilespmem:v45+s14+$0x0], $0xffff  }
0x240: {  	v54 =	vadd.s32 $0x4300, v2;
	[tilespmem:s30+$0x14800] =	vst v42;
	v48 =	vld.idx.msk [tilespmem:v20+s14+$0x0], $0xffff  }
0x241: {  	v49 =	vadd.s32 $0x4300, v13;
	[tilespmem:s2+$0x14800] =	vst v53;
	v50 =	vld.idx.msk [tilespmem:v43+s14+$0x0], $0xffff  }
0x242: {  	v51 =	vadd.s32 $0x4300, v12;
	v0 =	vld.idx.msk [tilespmem:v55+s14+$0x0], $0xffff;
	[tilespmem:s12+$0x14800] =	vst v5;
	s12 =	sor.u32 $0x280, s3  }
0x243: {  	v1 =	vadd.s32 $0x4380, v1;
	s17 =	sor.u32 $0x280, s1;
	v4 =	vld.idx.msk [tilespmem:v4+s14+$0x0], $0xffff;
	[tilespmem:s12+$0x14800] =	vst v15  }
0x244: {  	s15 =	sor.u32 $0x280, s5;
	[tilespmem:s17+$0x14800] =	vst v52;
	v10 =	vld.idx.msk [tilespmem:v47+s14+$0x0], $0xffff  }
0x245: {  	v56 =	vadd.s32 $0x4380, v9;
	s16 =	sor.u32 $0x280, s7;
	[tilespmem:s15+$0x14800] =	vst v48;
	v5 =	vld.idx.msk [tilespmem:v54+s14+$0x0], $0xffff  }
0x246: {  	v61 =	vadd.s32 $0x4380, v2;
	[tilespmem:s16+$0x14800] =	vst v50;
	v57 =	vld.idx.msk [tilespmem:v49+s14+$0x0], $0xffff  }
0x247: {  	v58 =	vadd.s32 $0x4380, v13;
	[tilespmem:s28+$0x14800] =	vst v0;
	v59 =	vld.idx.msk [tilespmem:v51+s14+$0x0], $0xffff  }
0x248: {  	v60 =	vadd.s32 $0x4380, v12;
	v1 =	vld.idx.msk [tilespmem:v1+s14+$0x0], $0xffff;
	s18 =	sor.u32 $0x300, s3;
	[tilespmem:s31+$0x14800] =	vst v4  }
0x249: {  	v3 =	vld.idx.msk [tilespmem:v3+s14+$0x0], $0xffff;
	s25 =	sor.u32 $0x300, s1;
	[tilespmem:s18+$0x14800] =	vst v10  }
0x24a: {  	s19 =	sor.u32 $0x300, s5;
	[tilespmem:s25+$0x14800] =	vst v5;
	v62 =	vld.idx.msk [tilespmem:v56+s14+$0x0], $0xffff  }
0x24b: {  	s21 =	sor.u32 $0x300, s7;
	[tilespmem:s19+$0x14800] =	vst v57;
	v2 =	vld.idx.msk [tilespmem:v61+s14+$0x0], $0xffff  }
0x24c: {  	s11 =	sor.u32 $0x380, s0;
	[tilespmem:s21+$0x14800] =	vst v59;
	v63 =	vld.idx.msk [tilespmem:v58+s14+$0x0], $0xffff  }
0x24d: {  	[tilespmem:s11+$0x14800] =	vst v1;
	v1 =	vld.idx.msk [tilespmem:v60+s14+$0x0], $0xffff  }
0x24e: {  	[tilespmem:s26+$0x14800] =	vst v3;
	s26 =	sor.u32 $0x380, s3  }
.Ltmp6:
0x24f: {  	s1 =	sor.u32 $0x380, s1;
	[tilespmem:s26+$0x14800] =	vst v62;
	(pc) =	sbr.rel @p0 .LBB2_12-.Ltmp6, $4  }
0x250: {  	s28 =	sor.u32 $0x380, s5;
	[tilespmem:s1+$0x14800] =	vst v2  }
0x251: {  	s29 =	sor.u32 $0x380, s7;
	[tilespmem:s28+$0x14800] =	vst v63  }
0x252: {  	s31 =	simm.s32 $0x14800;
	s30 =	sadd.s32 s24, s8;
	[tilespmem:s29+$0x14800] =	vst v1  }
0x253: {  	[hbm4b:s30+s4] =	stream.linear.scatter [tilespmem:s31], [sflag:$0x4], $0x4000, $0x38;
	[tilespmem:$0x18800] =	vst v63  }
.Ltmp7:
0x254: {  	(pc) =	sbr.rel .LBB2_2-.Ltmp7, $4  }
0x255: {  	_ = 	snop  }
0x256: {  	s0 =	rddreg [dreg:$0x8]  }
0x257: {  	s22 =	sadd.s32 $0x1, s22;
	s0 =	sadd.s32 s23, s0  }
0x258: {  	[tilespmem:s14], [sflag:$0x2] =	stream.linear.gather [hbm4b:s0+s4], $0x8000, $0x38;
	[tilespmem:$0x18800] =	vst v63  }
.LBB2_13:
0x259: {  	_ =	sfence.sel $0x180000  }
0x25a: {  	[bflag:$0x0] =	sbarrier.arrive $0xFFFF  }
0x25b: {  	_ =	strace $0x90000047  }
0x25c: {  	s0 =	stileid.u32;
	[bflag:$0x2] =	sbarrier.arrive $0xFFFF  }
0x25d: {  	p0 =	sne.s32 s0, $0x0;
	s0 =	rddreg [dreg:$0x3]  }
0x25e: {  	s0 =	sadd.s32 @!p0 $0x100000, s0  }
0x25f: {  	[sflag:s0] =	ssyncadd.tile.s32 @!p0 $0x1;
	_ =	shalt  }
.Lfunc_end2:
_tile_overlayer_lowered:
.L_overlay_start_2:
0x260: {  	(tag) =	ssettag $0x2  }
0x261: {  	s0 =	rddreg [dreg:$0x0];
	s2 =	stileid.u32  }
0x262: {  	s1 =	rddreg [dreg:$0x1];
	p0 =	sne.s32 s2, $0x0  }
0x263: {  	s3 =	rddreg [dreg:$0x2];
	[bflag:$0x3] =	sbarrier.arrive $0xFFFF;
	s2 =	simm.s32 @!p0 $0x1C05  }
0x264: {  	[timem:s3], [sflag:s2] =	dma.local @!p0 [hbm:s0], s1  }
0x265: {  	s0 =	simm.s32 @!p0 $0x5  }
0x266: {  	_ =	swait.ge @!p0 [sflag:s0], s1  }
0x267: {  	s1 =	ssub.s32 @!p0 $0x0, s1;
	[sflag:s0] =	ssyncset.done @!p0 $0x0  }
0x268: {  	[sflag:s0] =	ssyncadd.s32 @!p0 s1  }
0x269: {  	[bflag:$0x3] =	sbarrier.arrive $0xFFFF  }
0x26a: {  	_ =	shalt  }

</sc_bundles>
